<compile_context>
chip_gen: v7x
topology: tpu7x:2x2x1
jax: 0.10.2.dev20260603
libtpu: 0.0.44.dev20260713+nightly
codegen_flags: <defaults>
</compile_context>

<pallas_src>
import functools

import jax
import jax.numpy as jnp
from jax import lax
from jax.experimental import pallas as pl
from jax.experimental.pallas import tpu as pltpu
from jax.experimental.pallas import tpu_sc as plsc

N = 10000
E = 320000
DF = 128
NPAD = 10240
EPAD = 327680
NW = 32
NSUB = 16
CH = 128
EPW = EPAD // NW
NCH = EPW // CH
TOTCH = EPAD // CH
G0 = 158
G1 = 2
SPT = NPAD // NSUB
DUMMY = 10200
BR = 1000
GRID = N // BR


def _sc_mesh():
    return plsc.VectorSubcoreMesh(core_axis_name="c", subcore_axis_name="s")


def _deg_body(dst_hbm, zeros_hbm, ones_hbm, out_hbm, didx2, ones_v, deg_sh):
    c = lax.axis_index("c")
    s = lax.axis_index("s")
    wid = c * NSUB + s
    pltpu.sync_copy(zeros_hbm.at[pl.ds(s * SPT, SPT)], deg_sh.at[pl.ds(s * SPT, SPT)])
    pltpu.sync_copy(dst_hbm.at[wid], didx2)
    pltpu.sync_copy(ones_hbm.at[pl.ds(0, CH)], ones_v)
    plsc.subcore_barrier()

    def body(i, carry):
        pltpu.sync_copy(ones_v, deg_sh.at[didx2.at[i]], add=True)
        return carry

    lax.fori_loop(0, NCH, body, 0)
    plsc.subcore_barrier()
    pltpu.sync_copy(deg_sh.at[pl.ds(s * SPT, SPT)], out_hbm.at[c, pl.ds(s * SPT, SPT)])


def _sc_degree(dst3, zeros128, ones128):
    return pl.kernel(
        _deg_body,
        out_type=jax.ShapeDtypeStruct((2, NPAD, DF), jnp.float32),
        mesh=_sc_mesh(),
        scratch_types=[
            pltpu.VMEM((NCH, CH), jnp.int32),
            pltpu.VMEM((CH, DF), jnp.float32),
            pltpu.VMEM_SHARED((NPAD, DF), jnp.float32),
        ],
    )(dst3, zeros128, ones128)


def _spmm_body(y_hbm, e_hbm, zeros_hbm, out_hbm, ering, rows2, acc_sh, isem, gsem):
    c = lax.axis_index("c")
    s = lax.axis_index("s")
    ncg = jnp.where(c == 0, G0, G1)
    base = jnp.where(c == 0, s * G0, NSUB * G0 + s * G1)
    pltpu.sync_copy(zeros_hbm.at[pl.ds(s * SPT, SPT)], acc_sh.at[pl.ds(s * SPT, SPT)])
    for k in range(3):
        @pl.when(k < ncg)
        def _():
            pltpu.async_copy(e_hbm.at[base + k], ering.at[k], isem)
    for b in range(2):
        @pl.when(b < ncg)
        def _():
            pltpu.make_async_copy(e_hbm.at[base], ering.at[b], isem).wait()
            pltpu.async_copy(y_hbm.at[ering.at[b, 0]], rows2.at[b], gsem)
    plsc.subcore_barrier()

    def body(i, carry):
        b = lax.rem(i, 2)
        k = lax.rem(i, 4)
        pltpu.make_async_copy(y_hbm.at[pl.ds(0, CH)], rows2.at[b], gsem).wait()
        pltpu.sync_copy(rows2.at[b], acc_sh.at[ering.at[k, 1]], add=True)

        @pl.when(i + 3 < ncg)
        def _():
            pltpu.async_copy(e_hbm.at[base + i + 3], ering.at[lax.rem(i + 3, 4)], isem)

        @pl.when(i + 2 < ncg)
        def _():
            k2 = lax.rem(i + 2, 4)
            pltpu.make_async_copy(e_hbm.at[base], ering.at[k2], isem).wait()
            pltpu.async_copy(y_hbm.at[ering.at[k2, 0]], rows2.at[b], gsem)

        return carry

    lax.fori_loop(0, ncg, body, 0)
    plsc.subcore_barrier()
    pltpu.sync_copy(acc_sh.at[pl.ds(s * SPT, SPT)], out_hbm.at[c, pl.ds(s * SPT, SPT)])


def _sc_spmm(y, edges4, zeros128):
    return pl.kernel(
        _spmm_body,
        out_type=jax.ShapeDtypeStruct((2, NPAD, DF), jnp.float32),
        mesh=_sc_mesh(),
        scratch_types=[
            pltpu.VMEM((4, 2, CH), jnp.int32),
            pltpu.VMEM((2, CH, DF), jnp.float32),
            pltpu.VMEM_SHARED((NPAD, DF), jnp.float32),
            pltpu.SemaphoreType.DMA,
            pltpu.SemaphoreType.DMA,
        ],
    )(y, edges4, zeros128)


def _xw1_body(tac_ref, x_ref, w1_ref, emb_ref, o_ref):
    t = tac_ref[0]
    onehot = (lax.broadcasted_iota(jnp.int32, (1, 16), 1) == t).astype(jnp.float32)
    temb = jnp.dot(onehot, emb_ref[...], preferred_element_type=jnp.float32)
    c1 = jnp.dot(temb, w1_ref[pl.ds(DF, 16), :], preferred_element_type=jnp.float32)
    xw = jnp.dot(x_ref[...], w1_ref[pl.ds(0, DF), :], preferred_element_type=jnp.float32)
    o_ref[...] = xw + c1


def _tc_xw1(tac, x, W1, emb_table):
    return pl.pallas_call(
        _xw1_body,
        grid=(GRID,),
        in_specs=[
            pl.BlockSpec(memory_space=pltpu.MemorySpace.SMEM),
            pl.BlockSpec((BR, DF), lambda i: (i, 0)),
            pl.BlockSpec((DF + 16, DF), lambda i: (0, 0)),
            pl.BlockSpec((16, 16), lambda i: (0, 0)),
        ],
        out_specs=pl.BlockSpec((BR, DF), lambda i: (i, 0)),
        out_shape=jax.ShapeDtypeStruct((N, DF), jnp.float32),
    )(tac, x, W1, emb_table)


def _scale_body(deg_ref, xw_ref, y_ref, dinv_ref):
    d = deg_ref[0, :, 0:1] + deg_ref[1, :, 0:1] + 1.0
    dinv = lax.rsqrt(d)
    y_ref[...] = xw_ref[...] * dinv
    dinv_ref[...] = dinv


def _tc_scale(deg_p, xw1):
    return pl.pallas_call(
        _scale_body,
        grid=(GRID,),
        in_specs=[
            pl.BlockSpec((2, BR, DF), lambda i: (0, i, 0)),
            pl.BlockSpec((BR, DF), lambda i: (i, 0)),
        ],
        out_specs=[
            pl.BlockSpec((BR, DF), lambda i: (i, 0)),
            pl.BlockSpec((BR, 1), lambda i: (i, 0)),
        ],
        out_shape=[
            jax.ShapeDtypeStruct((N, DF), jnp.float32),
            jax.ShapeDtypeStruct((N, 1), jnp.float32),
        ],
    )(deg_p, xw1)


def _mid_body(p_ref, y_ref, dinv_ref, b1_ref, w2_ref, o_ref):
    sres = p_ref[0] + p_ref[1] + y_ref[...]
    h1 = jnp.maximum(sres * dinv_ref[...] + b1_ref[...], 0.0)
    xw2 = jnp.dot(h1, w2_ref[...], preferred_element_type=jnp.float32)
    o_ref[...] = xw2 * dinv_ref[...]


def _tc_mid(p1, y1, dinv, b1r, W2):
    return pl.pallas_call(
        _mid_body,
        grid=(GRID,),
        in_specs=[
            pl.BlockSpec((2, BR, DF), lambda i: (0, i, 0)),
            pl.BlockSpec((BR, DF), lambda i: (i, 0)),
            pl.BlockSpec((BR, 1), lambda i: (i, 0)),
            pl.BlockSpec((1, DF), lambda i: (0, 0)),
            pl.BlockSpec((DF, DF), lambda i: (0, 0)),
        ],
        out_specs=pl.BlockSpec((BR, DF), lambda i: (i, 0)),
        out_shape=jax.ShapeDtypeStruct((N, DF), jnp.float32),
    )(p1, y1, dinv, b1r, W2)


def _head_body(p_ref, y_ref, dinv_ref, b2_ref, wa_ref, ba_ref, wc_ref, bc_ref,
               ls_ref, mean_ref, std_ref, val_ref):
    sres = p_ref[0] + p_ref[1] + y_ref[...]
    h2 = jnp.maximum(sres * dinv_ref[...] + b2_ref[...], 0.0)
    mean_ref[...] = jnp.tanh(
        jnp.dot(h2, wa_ref[...], preferred_element_type=jnp.float32) + ba_ref[...])
    std_ref[...] = jnp.broadcast_to(jnp.exp(ls_ref[...]), (BR, 8))
    val_ref[...] = jnp.dot(h2, wc_ref[...], preferred_element_type=jnp.float32) + bc_ref[...]


def _tc_head(p2, y2, dinv, b2r, Wa, bar, Wc, bcr, log_std):
    return pl.pallas_call(
        _head_body,
        grid=(GRID,),
        in_specs=[
            pl.BlockSpec((2, BR, DF), lambda i: (0, i, 0)),
            pl.BlockSpec((BR, DF), lambda i: (i, 0)),
            pl.BlockSpec((BR, 1), lambda i: (i, 0)),
            pl.BlockSpec((1, DF), lambda i: (0, 0)),
            pl.BlockSpec((DF, 8), lambda i: (0, 0)),
            pl.BlockSpec((1, 8), lambda i: (0, 0)),
            pl.BlockSpec((DF, 1), lambda i: (0, 0)),
            pl.BlockSpec((1, 1), lambda i: (0, 0)),
            pl.BlockSpec((1, 8), lambda i: (0, 0)),
        ],
        out_specs=[
            pl.BlockSpec((BR, 8), lambda i: (i, 0)),
            pl.BlockSpec((BR, 8), lambda i: (i, 0)),
            pl.BlockSpec((BR, 1), lambda i: (i, 0)),
        ],
        out_shape=[
            jax.ShapeDtypeStruct((N, 8), jnp.float32),
            jax.ShapeDtypeStruct((N, 8), jnp.float32),
            jax.ShapeDtypeStruct((N, 1), jnp.float32),
        ],
    )(p2, y2, dinv, b2r, Wa, bar, Wc, bcr, log_std)


def kernel(x, edge_index, batch, tactic, emb_table, W1, b1, W2, b2, Wa, ba,
           log_std, Wc, bc):
    del batch
    src = edge_index[0].astype(jnp.int32)
    dst = edge_index[1].astype(jnp.int32)
    padn = EPAD - E
    src_p = jnp.concatenate([src, jnp.zeros((padn,), jnp.int32)])
    dst_p = jnp.concatenate([dst, jnp.full((padn,), DUMMY, jnp.int32)])
    dst3 = dst_p.reshape(NW, NCH, CH)
    tac = tactic.astype(jnp.int32).reshape(1)
    ones128 = jnp.ones((CH, DF), jnp.float32)
    zeros128 = jnp.zeros((NPAD, DF), jnp.float32)

    edges4 = jnp.stack([src_p.reshape(TOTCH, CH), dst_p.reshape(TOTCH, CH)],
                       axis=1)

    deg_p = _sc_degree(dst3, zeros128, ones128)
    xw1 = _tc_xw1(tac, x, W1, emb_table)
    y1, dinv = _tc_scale(deg_p, xw1)
    p1 = _sc_spmm(y1, edges4, zeros128)
    y2 = _tc_mid(p1, y1, dinv, b1.reshape(1, DF), W2)
    p2 = _sc_spmm(y2, edges4, zeros128)
    return _tc_head(p2, y2, dinv, b2.reshape(1, DF), Wa, ba.reshape(1, 8),
                    Wc, bc.reshape(1, 1), log_std)

# --- scband reference (transcript-rebuilt; emitter-appended) ---
"""Pipeline reference for scband-individual-policy-2740189135246 (READ-ONLY COPY).

The authoritative reference and input builder live on the scoring server;
editing this copy changes nothing except your own understanding.
"""

import jax, jax.numpy as jnp
import numpy as np

N_NODES = 10000
N_EDGES = 320000
D_FEAT = 128
EMB_DIM = 16
HIDDEN = 128
ACTION_DIM = 8
NUM_TACTICS = 16


def glorot(key, shape):
    fan_in, fan_out = shape[0], shape[1]
    lim = jnp.sqrt(6.0 / (fan_in + fan_out))
    return jax.random.uniform(key, shape, jnp.float32, -lim, lim)


def setup_inputs(seed: int = 0) -> dict:
    key = jax.random.key(seed)
    ks = jax.random.split(key, 12)
    x = jax.random.normal(ks[0], (N_NODES, D_FEAT), dtype=jnp.float32)
    edge_index = jax.random.randint(ks[1], (2, N_EDGES), 0, N_NODES, dtype=jnp.int64)
    batch = jnp.sort(jax.random.randint(ks[2], (N_NODES,), 0, 64, dtype=jnp.int64))
    tactic = jax.random.randint(ks[3], (1,), 0, NUM_TACTICS, dtype=jnp.int64)
    emb_table = jax.random.normal(ks[4], (NUM_TACTICS, EMB_DIM), dtype=jnp.float32)
    W1 = glorot(ks[5], (D_FEAT + EMB_DIM, HIDDEN))
    b1 = jnp.zeros((HIDDEN,), jnp.float32)
    W2 = glorot(ks[6], (HIDDEN, HIDDEN))
    b2 = jnp.zeros((HIDDEN,), jnp.float32)
    Wa = glorot(ks[7], (HIDDEN, ACTION_DIM))
    ba = jnp.zeros((ACTION_DIM,), jnp.float32)
    log_std = jnp.zeros((1, ACTION_DIM), jnp.float32)
    Wc = glorot(ks[8], (HIDDEN, 1))
    bc = jnp.zeros((1,), jnp.float32)
    return {"x": x, "edge_index": edge_index, "batch": batch, "tactic": tactic,
            "emb_table": emb_table, "W1": W1, "b1": b1, "W2": W2, "b2": b2,
            "Wa": Wa, "ba": ba, "log_std": log_std, "Wc": Wc, "bc": bc}


def gcn_conv(x, edge_index, W, b):
    # GCNConv with add_self_loops and symmetric normalization
    n = x.shape[0]
    loop = jnp.arange(n, dtype=edge_index.dtype)
    src = jnp.concatenate([edge_index[0], loop])
    dst = jnp.concatenate([edge_index[1], loop])
    deg = jnp.zeros((n,), jnp.float32).at[dst].add(1.0)
    dinv = jnp.where(deg > 0, 1.0 / jnp.sqrt(deg), 0.0)
    norm = dinv[src] * dinv[dst]
    xw = x @ W
    msg = xw[src] * norm[:, None]
    out = jax.ops.segment_sum(msg, dst, num_segments=n)
    return out + b


def reference(x, edge_index, batch, tactic, emb_table, W1, b1, W2, b2, Wa, ba, log_std, Wc, bc):
    tactic_emb = emb_table[tactic]  # [1, 16]
    tactic_emb = jnp.broadcast_to(tactic_emb, (x.shape[0], tactic_emb.shape[-1]))
    h = jnp.concatenate([x, tactic_emb], axis=1)
    h = jax.nn.relu(gcn_conv(h, edge_index, W1, b1))
    h = jax.nn.relu(gcn_conv(h, edge_index, W2, b2))
    mean = jnp.tanh(h @ Wa + ba)
    std = jnp.exp(jnp.broadcast_to(log_std, mean.shape))
    value = h @ Wc + bc
    return (mean, std, value)

if __name__ == "__main__":
    import jax
    _d = setup_inputs()
    print(jax.jit(kernel)(*tuple(_d.values())))

</pallas_src>

<mosaic_0001>
#map = affine_map<(d0, d1) -> (0, 0)>
#map1 = affine_map<(d0, d1) -> (0, 0, 0)>
module attributes {stable_mosaic.version = 14 : i64} {
  func.func @_spmm_body(%arg0: i32, %arg1: i32, %arg2: memref<10000x128xf32, #tpu.memory_space<hbm>>, %arg3: memref<2560x2x128xi32, #tpu.memory_space<hbm>>, %arg4: memref<10240x128xf32, #tpu.memory_space<hbm>>, %arg5: memref<2x10240x128xf32, #tpu.memory_space<hbm>>, %arg6: memref<4x2x128xi32, #tpu.memory_space<vmem>>, %arg7: memref<2x128x128xf32, #tpu.memory_space<vmem>>, %arg8: memref<10240x128xf32, #tpu.memory_space<vmem_shared>>, %arg9: memref<!tpu.dma_semaphore, #tpu.memory_space<semaphore_mem>>, %arg10: memref<!tpu.dma_semaphore, #tpu.memory_space<semaphore_mem>>) attributes {dimension_semantics = [#tpu.dimension_semantics<core_parallel>, #tpu.dimension_semantics<subcore_parallel>], iteration_bounds = array<i64: 2, 16>, scalar_prefetch = 0 : i64, scratch_operands = 5 : i64, tpu.core_type = #tpu.core_type<sc_vector_subcore>, window_params = [{transform_indices = #map}, {transform_indices = #map1}, {transform_indices = #map}, {transform_indices = #map1}]} {
    %eq3A = arith.constant 0 : i32
    %eq3A_0 = arith.cmpi eq, %arg0, %eq3A : i32
    %jit3A = arith.constant 158 : i32
    %jit3A_1 = arith.constant 2 : i32
    %select_n3A = arith.select %eq3A_0, %jit3A, %jit3A_1 : i32
    %eq3A_2 = arith.constant 0 : i32
    %eq3A_3 = arith.cmpi eq, %arg0, %eq3A_2 : i32
    %mul3A = arith.constant 158 : i32
    %mul3A_4 = arith.muli %arg1, %mul3A : i32
    %mul3A_5 = arith.constant 2 : i32
    %mul3A_6 = arith.muli %arg1, %mul3A_5 : i32
    %add3A = arith.constant 2528 : i32
    %add3A_7 = arith.addi %add3A, %mul3A_6 : i32
    %select_n3A_8 = arith.select %eq3A_3, %mul3A_4, %add3A_7 : i32
    %mul3A_9 = arith.constant 640 : i32
    %mul3A_10 = arith.muli %arg1, %mul3A_9 : i32
    %mul3A_11 = arith.constant 640 : i32
    %mul3A_12 = arith.muli %arg1, %mul3A_11 : i32
    "tpu.region"() ({
      %run_scoped3A = tpu.sem_alloc : memref<!tpu.dma_semaphore, #tpu.memory_space<semaphore_mem>>
      %dma_start3A = arith.constant 0 : i32
      %dma_start3A_49 = tpu.memref_slice %arg8[%mul3A_12, %dma_start3A] : memref<10240x128xf32, #tpu.memory_space<vmem_shared>> -> memref<640x128xf32, #tpu.memory_space<vmem_shared>>
      %dma_start3A_50 = arith.constant 0 : i32
      %dma_start3A_51 = tpu.memref_slice %arg4[%mul3A_10, %dma_start3A_50] : memref<10240x128xf32, #tpu.memory_space<hbm>> -> memref<640x128xf32, #tpu.memory_space<hbm>>
      tpu.enqueue_dma source(%dma_start3A_51 : memref<640x128xf32, #tpu.memory_space<hbm>>) target(%dma_start3A_49 : memref<640x128xf32, #tpu.memory_space<vmem_shared>>) target_semaphore(%run_scoped3A : memref<!tpu.dma_semaphore, #tpu.memory_space<semaphore_mem>>)
      %dma_wait3A = arith.constant 0 : i32
      %dma_wait3A_52 = tpu.memref_slice %arg8[%mul3A_12, %dma_wait3A] : memref<10240x128xf32, #tpu.memory_space<vmem_shared>> -> memref<640x128xf32, #tpu.memory_space<vmem_shared>>
      %dma_wait3A_53 = arith.constant 0 : i32
      %dma_wait3A_54 = tpu.memref_slice %arg4[%mul3A_10, %dma_wait3A_53] : memref<10240x128xf32, #tpu.memory_space<hbm>> -> memref<640x128xf32, #tpu.memory_space<hbm>>
      tpu.wait_dma2 semaphore(%run_scoped3A : memref<!tpu.dma_semaphore, #tpu.memory_space<semaphore_mem>>) src(%dma_wait3A_54 : memref<640x128xf32, #tpu.memory_space<hbm>>) dst(%dma_wait3A_52 : memref<640x128xf32, #tpu.memory_space<vmem_shared>>)
      tpu.yield
    }) : () -> ()
    %gt3A = arith.constant 0 : i32
    %gt3A_13 = arith.cmpi sgt, %select_n3A, %gt3A : i32
    %convert_element_type3A = arith.extui %gt3A_13 : i1 to i32
    %cond3A = arith.constant 0 : i32
    %cond3A_14 = arith.cmpi ne, %convert_element_type3A, %cond3A : i32
    scf.if %cond3A_14 {
      %add3A_49 = arith.constant 0 : i32
      %add3A_50 = arith.addi %select_n3A_8, %add3A_49 : i32
      %dma_start3A = arith.constant 0 : i32
      %dma_start3A_51 = arith.constant 0 : i32
      %dma_start3A_52 = arith.constant 0 : i32
      %dma_start3A_53 = tpu.memref_slice %arg6[%dma_start3A, %dma_start3A_51, %dma_start3A_52] : memref<4x2x128xi32, #tpu.memory_space<vmem>> -> memref<1x2x128xi32, #tpu.memory_space<vmem>>
      %dma_start3A_54 = tpu.memref_squeeze %dma_start3A_53 : memref<1x2x128xi32, #tpu.memory_space<vmem>> -> memref<2x128xi32, #tpu.memory_space<vmem>>
      %dma_start3A_55 = arith.constant 0 : i32
      %dma_start3A_56 = arith.constant 0 : i32
      %dma_start3A_57 = tpu.memref_slice %arg3[%add3A_50, %dma_start3A_55, %dma_start3A_56] : memref<2560x2x128xi32, #tpu.memory_space<hbm>> -> memref<1x2x128xi32, #tpu.memory_space<hbm>>
      %dma_start3A_58 = tpu.memref_squeeze %dma_start3A_57 : memref<1x2x128xi32, #tpu.memory_space<hbm>> -> memref<2x128xi32, #tpu.memory_space<hbm>>
      %dma_start3A_59 = arith.constant 0 : i32
      %dma_start3A_60 = arith.constant 0 : i32
      %dma_start3A_61 = tpu.memref_slice %arg6[%dma_start3A, %dma_start3A_59, %dma_start3A_60] : memref<4x2x128xi32, #tpu.memory_space<vmem>> -> memref<1x2x128xi32, #tpu.memory_space<vmem>>
      %dma_start3A_62 = tpu.memref_squeeze %dma_start3A_61 : memref<1x2x128xi32, #tpu.memory_space<vmem>> -> memref<2x128xi32, #tpu.memory_space<vmem>>
      %dma_start3A_63 = arith.constant 0 : i32
      %dma_start3A_64 = arith.constant 0 : i32
      %dma_start3A_65 = tpu.memref_slice %arg3[%add3A_50, %dma_start3A_63, %dma_start3A_64] : memref<2560x2x128xi32, #tpu.memory_space<hbm>> -> memref<1x2x128xi32, #tpu.memory_space<hbm>>
      %dma_start3A_66 = tpu.memref_squeeze %dma_start3A_65 : memref<1x2x128xi32, #tpu.memory_space<hbm>> -> memref<2x128xi32, #tpu.memory_space<hbm>>
      tpu.enqueue_dma source(%dma_start3A_66 : memref<2x128xi32, #tpu.memory_space<hbm>>) target(%dma_start3A_62 : memref<2x128xi32, #tpu.memory_space<vmem>>) target_semaphore(%arg9 : memref<!tpu.dma_semaphore, #tpu.memory_space<semaphore_mem>>)
    } else {
    }
    %gt3A_15 = arith.constant 1 : i32
    %gt3A_16 = arith.cmpi sgt, %select_n3A, %gt3A_15 : i32
    %convert_element_type3A_17 = arith.extui %gt3A_16 : i1 to i32
    %cond3A_18 = arith.constant 0 : i32
    %cond3A_19 = arith.cmpi ne, %convert_element_type3A_17, %cond3A_18 : i32
    scf.if %cond3A_19 {
      %add3A_49 = arith.constant 1 : i32
      %add3A_50 = arith.addi %select_n3A_8, %add3A_49 : i32
      %dma_start3A = arith.constant 1 : i32
      %dma_start3A_51 = arith.constant 0 : i32
      %dma_start3A_52 = arith.constant 0 : i32
      %dma_start3A_53 = tpu.memref_slice %arg6[%dma_start3A, %dma_start3A_51, %dma_start3A_52] : memref<4x2x128xi32, #tpu.memory_space<vmem>> -> memref<1x2x128xi32, #tpu.memory_space<vmem>>
      %dma_start3A_54 = tpu.memref_squeeze %dma_start3A_53 : memref<1x2x128xi32, #tpu.memory_space<vmem>> -> memref<2x128xi32, #tpu.memory_space<vmem>>
      %dma_start3A_55 = arith.constant 0 : i32
      %dma_start3A_56 = arith.constant 0 : i32
      %dma_start3A_57 = tpu.memref_slice %arg3[%add3A_50, %dma_start3A_55, %dma_start3A_56] : memref<2560x2x128xi32, #tpu.memory_space<hbm>> -> memref<1x2x128xi32, #tpu.memory_space<hbm>>
      %dma_start3A_58 = tpu.memref_squeeze %dma_start3A_57 : memref<1x2x128xi32, #tpu.memory_space<hbm>> -> memref<2x128xi32, #tpu.memory_space<hbm>>
      %dma_start3A_59 = arith.constant 0 : i32
      %dma_start3A_60 = arith.constant 0 : i32
      %dma_start3A_61 = tpu.memref_slice %arg6[%dma_start3A, %dma_start3A_59, %dma_start3A_60] : memref<4x2x128xi32, #tpu.memory_space<vmem>> -> memref<1x2x128xi32, #tpu.memory_space<vmem>>
      %dma_start3A_62 = tpu.memref_squeeze %dma_start3A_61 : memref<1x2x128xi32, #tpu.memory_space<vmem>> -> memref<2x128xi32, #tpu.memory_space<vmem>>
      %dma_start3A_63 = arith.constant 0 : i32
      %dma_start3A_64 = arith.constant 0 : i32
      %dma_start3A_65 = tpu.memref_slice %arg3[%add3A_50, %dma_start3A_63, %dma_start3A_64] : memref<2560x2x128xi32, #tpu.memory_space<hbm>> -> memref<1x2x128xi32, #tpu.memory_space<hbm>>
      %dma_start3A_66 = tpu.memref_squeeze %dma_start3A_65 : memref<1x2x128xi32, #tpu.memory_space<hbm>> -> memref<2x128xi32, #tpu.memory_space<hbm>>
      tpu.enqueue_dma source(%dma_start3A_66 : memref<2x128xi32, #tpu.memory_space<hbm>>) target(%dma_start3A_62 : memref<2x128xi32, #tpu.memory_space<vmem>>) target_semaphore(%arg9 : memref<!tpu.dma_semaphore, #tpu.memory_space<semaphore_mem>>)
    } else {
    }
    %gt3A_20 = arith.constant 2 : i32
    %gt3A_21 = arith.cmpi sgt, %select_n3A, %gt3A_20 : i32
    %convert_element_type3A_22 = arith.extui %gt3A_21 : i1 to i32
    %cond3A_23 = arith.constant 0 : i32
    %cond3A_24 = arith.cmpi ne, %convert_element_type3A_22, %cond3A_23 : i32
    scf.if %cond3A_24 {
      %add3A_49 = arith.constant 2 : i32
      %add3A_50 = arith.addi %select_n3A_8, %add3A_49 : i32
      %dma_start3A = arith.constant 2 : i32
      %dma_start3A_51 = arith.constant 0 : i32
      %dma_start3A_52 = arith.constant 0 : i32
      %dma_start3A_53 = tpu.memref_slice %arg6[%dma_start3A, %dma_start3A_51, %dma_start3A_52] : memref<4x2x128xi32, #tpu.memory_space<vmem>> -> memref<1x2x128xi32, #tpu.memory_space<vmem>>
      %dma_start3A_54 = tpu.memref_squeeze %dma_start3A_53 : memref<1x2x128xi32, #tpu.memory_space<vmem>> -> memref<2x128xi32, #tpu.memory_space<vmem>>
      %dma_start3A_55 = arith.constant 0 : i32
      %dma_start3A_56 = arith.constant 0 : i32
      %dma_start3A_57 = tpu.memref_slice %arg3[%add3A_50, %dma_start3A_55, %dma_start3A_56] : memref<2560x2x128xi32, #tpu.memory_space<hbm>> -> memref<1x2x128xi32, #tpu.memory_space<hbm>>
      %dma_start3A_58 = tpu.memref_squeeze %dma_start3A_57 : memref<1x2x128xi32, #tpu.memory_space<hbm>> -> memref<2x128xi32, #tpu.memory_space<hbm>>
      %dma_start3A_59 = arith.constant 0 : i32
      %dma_start3A_60 = arith.constant 0 : i32
      %dma_start3A_61 = tpu.memref_slice %arg6[%dma_start3A, %dma_start3A_59, %dma_start3A_60] : memref<4x2x128xi32, #tpu.memory_space<vmem>> -> memref<1x2x128xi32, #tpu.memory_space<vmem>>
      %dma_start3A_62 = tpu.memref_squeeze %dma_start3A_61 : memref<1x2x128xi32, #tpu.memory_space<vmem>> -> memref<2x128xi32, #tpu.memory_space<vmem>>
      %dma_start3A_63 = arith.constant 0 : i32
      %dma_start3A_64 = arith.constant 0 : i32
      %dma_start3A_65 = tpu.memref_slice %arg3[%add3A_50, %dma_start3A_63, %dma_start3A_64] : memref<2560x2x128xi32, #tpu.memory_space<hbm>> -> memref<1x2x128xi32, #tpu.memory_space<hbm>>
      %dma_start3A_66 = tpu.memref_squeeze %dma_start3A_65 : memref<1x2x128xi32, #tpu.memory_space<hbm>> -> memref<2x128xi32, #tpu.memory_space<hbm>>
      tpu.enqueue_dma source(%dma_start3A_66 : memref<2x128xi32, #tpu.memory_space<hbm>>) target(%dma_start3A_62 : memref<2x128xi32, #tpu.memory_space<vmem>>) target_semaphore(%arg9 : memref<!tpu.dma_semaphore, #tpu.memory_space<semaphore_mem>>)
    } else {
    }
    %gt3A_25 = arith.constant 0 : i32
    %gt3A_26 = arith.cmpi sgt, %select_n3A, %gt3A_25 : i32
    %convert_element_type3A_27 = arith.extui %gt3A_26 : i1 to i32
    %cond3A_28 = arith.constant 0 : i32
    %cond3A_29 = arith.cmpi ne, %convert_element_type3A_27, %cond3A_28 : i32
    scf.if %cond3A_29 {
      %dma_wait3A = arith.constant 0 : i32
      %dma_wait3A_49 = arith.constant 0 : i32
      %dma_wait3A_50 = arith.constant 0 : i32
      %dma_wait3A_51 = tpu.memref_slice %arg6[%dma_wait3A, %dma_wait3A_49, %dma_wait3A_50] : memref<4x2x128xi32, #tpu.memory_space<vmem>> -> memref<1x2x128xi32, #tpu.memory_space<vmem>>
      %dma_wait3A_52 = tpu.memref_squeeze %dma_wait3A_51 : memref<1x2x128xi32, #tpu.memory_space<vmem>> -> memref<2x128xi32, #tpu.memory_space<vmem>>
      %dma_wait3A_53 = arith.constant 0 : i32
      %dma_wait3A_54 = arith.constant 0 : i32
      %dma_wait3A_55 = tpu.memref_slice %arg3[%select_n3A_8, %dma_wait3A_53, %dma_wait3A_54] : memref<2560x2x128xi32, #tpu.memory_space<hbm>> -> memref<1x2x128xi32, #tpu.memory_space<hbm>>
      %dma_wait3A_56 = tpu.memref_squeeze %dma_wait3A_55 : memref<1x2x128xi32, #tpu.memory_space<hbm>> -> memref<2x128xi32, #tpu.memory_space<hbm>>
      %dma_wait3A_57 = arith.constant 0 : i32
      %dma_wait3A_58 = arith.constant 0 : i32
      %dma_wait3A_59 = tpu.memref_slice %arg6[%dma_wait3A, %dma_wait3A_57, %dma_wait3A_58] : memref<4x2x128xi32, #tpu.memory_space<vmem>> -> memref<1x2x128xi32, #tpu.memory_space<vmem>>
      %dma_wait3A_60 = tpu.memref_squeeze %dma_wait3A_59 : memref<1x2x128xi32, #tpu.memory_space<vmem>> -> memref<2x128xi32, #tpu.memory_space<vmem>>
      %dma_wait3A_61 = arith.constant 0 : i32
      %dma_wait3A_62 = arith.constant 0 : i32
      %dma_wait3A_63 = tpu.memref_slice %arg3[%select_n3A_8, %dma_wait3A_61, %dma_wait3A_62] : memref<2560x2x128xi32, #tpu.memory_space<hbm>> -> memref<1x2x128xi32, #tpu.memory_space<hbm>>
      %dma_wait3A_64 = tpu.memref_squeeze %dma_wait3A_63 : memref<1x2x128xi32, #tpu.memory_space<hbm>> -> memref<2x128xi32, #tpu.memory_space<hbm>>
      tpu.wait_dma2 semaphore(%arg9 : memref<!tpu.dma_semaphore, #tpu.memory_space<semaphore_mem>>) src(%dma_wait3A_64 : memref<2x128xi32, #tpu.memory_space<hbm>>) dst(%dma_wait3A_60 : memref<2x128xi32, #tpu.memory_space<vmem>>)
      %dma_start3A = arith.constant 0 : i32
      %dma_start3A_65 = arith.constant 0 : i32
      %dma_start3A_66 = arith.constant 0 : i32
      %dma_start3A_67 = arith.constant 0 : i32
      %dma_start3A_68 = arith.constant 0 : i32
      %dma_start3A_69 = tpu.memref_slice %arg7[%dma_start3A_66, %dma_start3A_67, %dma_start3A_68] : memref<2x128x128xf32, #tpu.memory_space<vmem>> -> memref<1x128x128xf32, #tpu.memory_space<vmem>>
      %dma_start3A_70 = tpu.memref_squeeze %dma_start3A_69 : memref<1x128x128xf32, #tpu.memory_space<vmem>> -> memref<128x128xf32, #tpu.memory_space<vmem>>
      %dma_start3A_71 = arith.constant 0 : i32
      %dma_start3A_72 = tpu.memref_slice %arg6[%dma_start3A, %dma_start3A_65, %dma_start3A_71] : memref<4x2x128xi32, #tpu.memory_space<vmem>> -> memref<1x1x128xi32, #tpu.memory_space<vmem>>
      %dma_start3A_73 = tpu.memref_squeeze %dma_start3A_72 : memref<1x1x128xi32, #tpu.memory_space<vmem>> -> memref<128xi32, #tpu.memory_space<vmem>>
      %dma_start3A_74 = arith.constant 0 : i32
      %dma_start3A_75 = arith.constant 0 : i32
      %dma_start3A_76 = tpu.memref_slice %arg2[%dma_start3A_74, %dma_start3A_75] : memref<10000x128xf32, #tpu.memory_space<hbm>> -> memref<10000x128xf32, #tpu.memory_space<hbm>>
      tpu.enqueue_indirect_dma source(%dma_start3A_76 : memref<10000x128xf32, #tpu.memory_space<hbm>>) target(%dma_start3A_70 : memref<128x128xf32, #tpu.memory_space<vmem>>) offsets(%dma_start3A_73 : memref<128xi32, #tpu.memory_space<vmem>>) semaphore(%arg10 : memref<!tpu.dma_semaphore, #tpu.memory_space<semaphore_mem>>)
    } else {
    }
    %gt3A_30 = arith.constant 1 : i32
    %gt3A_31 = arith.cmpi sgt, %select_n3A, %gt3A_30 : i32
    %convert_element_type3A_32 = arith.extui %gt3A_31 : i1 to i32
    %cond3A_33 = arith.constant 0 : i32
    %cond3A_34 = arith.cmpi ne, %convert_element_type3A_32, %cond3A_33 : i32
    scf.if %cond3A_34 {
      %dma_wait3A = arith.constant 1 : i32
      %dma_wait3A_49 = arith.constant 0 : i32
      %dma_wait3A_50 = arith.constant 0 : i32
      %dma_wait3A_51 = tpu.memref_slice %arg6[%dma_wait3A, %dma_wait3A_49, %dma_wait3A_50] : memref<4x2x128xi32, #tpu.memory_space<vmem>> -> memref<1x2x128xi32, #tpu.memory_space<vmem>>
      %dma_wait3A_52 = tpu.memref_squeeze %dma_wait3A_51 : memref<1x2x128xi32, #tpu.memory_space<vmem>> -> memref<2x128xi32, #tpu.memory_space<vmem>>
      %dma_wait3A_53 = arith.constant 0 : i32
      %dma_wait3A_54 = arith.constant 0 : i32
      %dma_wait3A_55 = tpu.memref_slice %arg3[%select_n3A_8, %dma_wait3A_53, %dma_wait3A_54] : memref<2560x2x128xi32, #tpu.memory_space<hbm>> -> memref<1x2x128xi32, #tpu.memory_space<hbm>>
      %dma_wait3A_56 = tpu.memref_squeeze %dma_wait3A_55 : memref<1x2x128xi32, #tpu.memory_space<hbm>> -> memref<2x128xi32, #tpu.memory_space<hbm>>
      %dma_wait3A_57 = arith.constant 0 : i32
      %dma_wait3A_58 = arith.constant 0 : i32
      %dma_wait3A_59 = tpu.memref_slice %arg6[%dma_wait3A, %dma_wait3A_57, %dma_wait3A_58] : memref<4x2x128xi32, #tpu.memory_space<vmem>> -> memref<1x2x128xi32, #tpu.memory_space<vmem>>
      %dma_wait3A_60 = tpu.memref_squeeze %dma_wait3A_59 : memref<1x2x128xi32, #tpu.memory_space<vmem>> -> memref<2x128xi32, #tpu.memory_space<vmem>>
      %dma_wait3A_61 = arith.constant 0 : i32
      %dma_wait3A_62 = arith.constant 0 : i32
      %dma_wait3A_63 = tpu.memref_slice %arg3[%select_n3A_8, %dma_wait3A_61, %dma_wait3A_62] : memref<2560x2x128xi32, #tpu.memory_space<hbm>> -> memref<1x2x128xi32, #tpu.memory_space<hbm>>
      %dma_wait3A_64 = tpu.memref_squeeze %dma_wait3A_63 : memref<1x2x128xi32, #tpu.memory_space<hbm>> -> memref<2x128xi32, #tpu.memory_space<hbm>>
      tpu.wait_dma2 semaphore(%arg9 : memref<!tpu.dma_semaphore, #tpu.memory_space<semaphore_mem>>) src(%dma_wait3A_64 : memref<2x128xi32, #tpu.memory_space<hbm>>) dst(%dma_wait3A_60 : memref<2x128xi32, #tpu.memory_space<vmem>>)
      %dma_start3A = arith.constant 1 : i32
      %dma_start3A_65 = arith.constant 0 : i32
      %dma_start3A_66 = arith.constant 1 : i32
      %dma_start3A_67 = arith.constant 0 : i32
      %dma_start3A_68 = arith.constant 0 : i32
      %dma_start3A_69 = tpu.memref_slice %arg7[%dma_start3A_66, %dma_start3A_67, %dma_start3A_68] : memref<2x128x128xf32, #tpu.memory_space<vmem>> -> memref<1x128x128xf32, #tpu.memory_space<vmem>>
      %dma_start3A_70 = tpu.memref_squeeze %dma_start3A_69 : memref<1x128x128xf32, #tpu.memory_space<vmem>> -> memref<128x128xf32, #tpu.memory_space<vmem>>
      %dma_start3A_71 = arith.constant 0 : i32
      %dma_start3A_72 = tpu.memref_slice %arg6[%dma_start3A, %dma_start3A_65, %dma_start3A_71] : memref<4x2x128xi32, #tpu.memory_space<vmem>> -> memref<1x1x128xi32, #tpu.memory_space<vmem>>
      %dma_start3A_73 = tpu.memref_squeeze %dma_start3A_72 : memref<1x1x128xi32, #tpu.memory_space<vmem>> -> memref<128xi32, #tpu.memory_space<vmem>>
      %dma_start3A_74 = arith.constant 0 : i32
      %dma_start3A_75 = arith.constant 0 : i32
      %dma_start3A_76 = tpu.memref_slice %arg2[%dma_start3A_74, %dma_start3A_75] : memref<10000x128xf32, #tpu.memory_space<hbm>> -> memref<10000x128xf32, #tpu.memory_space<hbm>>
      tpu.enqueue_indirect_dma source(%dma_start3A_76 : memref<10000x128xf32, #tpu.memory_space<hbm>>) target(%dma_start3A_70 : memref<128x128xf32, #tpu.memory_space<vmem>>) offsets(%dma_start3A_73 : memref<128xi32, #tpu.memory_space<vmem>>) semaphore(%arg10 : memref<!tpu.dma_semaphore, #tpu.memory_space<semaphore_mem>>)
    } else {
    }
    %barrier3A = arith.constant 0 : index
    tpu.barrier barrier_id(%barrier3A)
    %while3A = arith.constant 0 : i32
    %while3A_35 = arith.constant 0 : i32
    %while3A_36 = arith.subi %select_n3A, %while3A_35 : i32
    %while3A_37 = arith.addi %while3A_35, %while3A_36 : i32
    %while3A_38 = arith.constant 1 : i32
    %while3A_39 = arith.divsi %while3A_36, %while3A_38 : i32
    %while3A_40 = arith.muli %while3A_39, %while3A_38 : i32
    %while3A_41 = arith.addi %while3A_35, %while3A_40 : i32
    %while3A_42 = arith.constant 1 : i32
    scf.for %while3A_49 = %while3A_35 to %while3A_41 step %while3A_42  : i32 {
      %rem3A = arith.constant 2 : i32
      %rem3A_50 = arith.remsi %while3A_49, %rem3A : i32
      %rem3A_51 = arith.constant 4 : i32
      %rem3A_52 = arith.remsi %while3A_49, %rem3A_51 : i32
      %dma_wait3A = arith.constant 0 : i32
      %dma_wait3A_53 = arith.constant 0 : i32
      %dma_wait3A_54 = tpu.memref_slice %arg7[%rem3A_50, %dma_wait3A, %dma_wait3A_53] : memref<2x128x128xf32, #tpu.memory_space<vmem>> -> memref<1x128x128xf32, #tpu.memory_space<vmem>>
      %dma_wait3A_55 = tpu.memref_squeeze %dma_wait3A_54 : memref<1x128x128xf32, #tpu.memory_space<vmem>> -> memref<128x128xf32, #tpu.memory_space<vmem>>
      %dma_wait3A_56 = arith.constant 0 : i32
      %dma_wait3A_57 = arith.constant 0 : i32
      %dma_wait3A_58 = tpu.memref_slice %arg2[%dma_wait3A_56, %dma_wait3A_57] : memref<10000x128xf32, #tpu.memory_space<hbm>> -> memref<128x128xf32, #tpu.memory_space<hbm>>
      %dma_wait3A_59 = arith.constant 0 : i32
      %dma_wait3A_60 = arith.constant 0 : i32
      %dma_wait3A_61 = tpu.memref_slice %arg7[%rem3A_50, %dma_wait3A_59, %dma_wait3A_60] : memref<2x128x128xf32, #tpu.memory_space<vmem>> -> memref<1x128x128xf32, #tpu.memory_space<vmem>>
      %dma_wait3A_62 = tpu.memref_squeeze %dma_wait3A_61 : memref<1x128x128xf32, #tpu.memory_space<vmem>> -> memref<128x128xf32, #tpu.memory_space<vmem>>
      %dma_wait3A_63 = arith.constant 0 : i32
      %dma_wait3A_64 = arith.constant 0 : i32
      %dma_wait3A_65 = tpu.memref_slice %arg2[%dma_wait3A_63, %dma_wait3A_64] : memref<10000x128xf32, #tpu.memory_space<hbm>> -> memref<128x128xf32, #tpu.memory_space<hbm>>
      tpu.wait_dma2 semaphore(%arg10 : memref<!tpu.dma_semaphore, #tpu.memory_space<semaphore_mem>>) src(%dma_wait3A_65 : memref<128x128xf32, #tpu.memory_space<hbm>>) dst(%dma_wait3A_62 : memref<128x128xf32, #tpu.memory_space<vmem>>)
      %run_scoped3A = arith.constant 1 : i32
      "tpu.region"() ({
        %run_scoped3A_77 = tpu.sem_alloc : memref<!tpu.dma_semaphore, #tpu.memory_space<semaphore_mem>>
        %dma_start3A = arith.constant 0 : i32
        %dma_start3A_78 = arith.constant 0 : i32
        %dma_start3A_79 = tpu.memref_slice %arg7[%rem3A_50, %dma_start3A, %dma_start3A_78] : memref<2x128x128xf32, #tpu.memory_space<vmem>> -> memref<1x128x128xf32, #tpu.memory_space<vmem>>
        %dma_start3A_80 = tpu.memref_squeeze %dma_start3A_79 : memref<1x128x128xf32, #tpu.memory_space<vmem>> -> memref<128x128xf32, #tpu.memory_space<vmem>>
        %dma_start3A_81 = arith.constant 0 : i32
        %dma_start3A_82 = tpu.memref_slice %arg6[%rem3A_52, %run_scoped3A, %dma_start3A_81] : memref<4x2x128xi32, #tpu.memory_space<vmem>> -> memref<1x1x128xi32, #tpu.memory_space<vmem>>
        %dma_start3A_83 = tpu.memref_squeeze %dma_start3A_82 : memref<1x1x128xi32, #tpu.memory_space<vmem>> -> memref<128xi32, #tpu.memory_space<vmem>>
        %dma_start3A_84 = arith.constant 0 : i32
        %dma_start3A_85 = arith.constant 0 : i32
        %dma_start3A_86 = tpu.memref_slice %arg8[%dma_start3A_84, %dma_start3A_85] : memref<10240x128xf32, #tpu.memory_space<vmem_shared>> -> memref<10240x128xf32, #tpu.memory_space<vmem_shared>>
        tpu.enqueue_indirect_dma source(%dma_start3A_80 : memref<128x128xf32, #tpu.memory_space<vmem>>) target(%dma_start3A_86 : memref<10240x128xf32, #tpu.memory_space<vmem_shared>>) offsets(%dma_start3A_83 : memref<128xi32, #tpu.memory_space<vmem>>) semaphore(%run_scoped3A_77 : memref<!tpu.dma_semaphore, #tpu.memory_space<semaphore_mem>>) {add = true}
        %dma_wait3A_87 = arith.constant 0 : i32
        %dma_wait3A_88 = arith.constant 0 : i32
        %dma_wait3A_89 = tpu.memref_slice %arg7[%rem3A_50, %dma_wait3A_87, %dma_wait3A_88] : memref<2x128x128xf32, #tpu.memory_space<vmem>> -> memref<1x128x128xf32, #tpu.memory_space<vmem>>
        %dma_wait3A_90 = tpu.memref_squeeze %dma_wait3A_89 : memref<1x128x128xf32, #tpu.memory_space<vmem>> -> memref<128x128xf32, #tpu.memory_space<vmem>>
        %dma_wait3A_91 = arith.constant 0 : i32
        %dma_wait3A_92 = tpu.memref_slice %arg6[%rem3A_52, %run_scoped3A, %dma_wait3A_91] : memref<4x2x128xi32, #tpu.memory_space<vmem>> -> memref<1x1x128xi32, #tpu.memory_space<vmem>>
        %dma_wait3A_93 = tpu.memref_squeeze %dma_wait3A_92 : memref<1x1x128xi32, #tpu.memory_space<vmem>> -> memref<128xi32, #tpu.memory_space<vmem>>
        %dma_wait3A_94 = arith.constant 0 : i32
        %dma_wait3A_95 = arith.constant 0 : i32
        %dma_wait3A_96 = tpu.memref_slice %arg8[%dma_wait3A_94, %dma_wait3A_95] : memref<10240x128xf32, #tpu.memory_space<vmem_shared>> -> memref<10240x128xf32, #tpu.memory_space<vmem_shared>>
        tpu.wait_indirect_dma semaphore(%run_scoped3A_77 : memref<!tpu.dma_semaphore, #tpu.memory_space<semaphore_mem>>) src(%dma_wait3A_90 : memref<128x128xf32, #tpu.memory_space<vmem>>) dst(%dma_wait3A_96 : memref<10240x128xf32, #tpu.memory_space<vmem_shared>>)
        tpu.yield
      }) : () -> ()
      %add3A_66 = arith.constant 3 : i32
      %add3A_67 = arith.addi %while3A_49, %add3A_66 : i32
      %lt3A = arith.cmpi slt, %add3A_67, %select_n3A : i32
      %convert_element_type3A_68 = arith.extui %lt3A : i1 to i32
      %cond3A_69 = arith.constant 0 : i32
      %cond3A_70 = arith.cmpi ne, %convert_element_type3A_68, %cond3A_69 : i32
      scf.if %cond3A_70 {
        %add3A_77 = arith.addi %select_n3A_8, %while3A_49 : i32
        %add3A_78 = arith.constant 3 : i32
        %add3A_79 = arith.addi %add3A_77, %add3A_78 : i32
        %add3A_80 = arith.constant 3 : i32
        %add3A_81 = arith.addi %while3A_49, %add3A_80 : i32
        %rem3A_82 = arith.constant 4 : i32
        %rem3A_83 = arith.remsi %add3A_81, %rem3A_82 : i32
        %dma_start3A = arith.constant 0 : i32
        %dma_start3A_84 = arith.constant 0 : i32
        %dma_start3A_85 = tpu.memref_slice %arg6[%rem3A_83, %dma_start3A, %dma_start3A_84] : memref<4x2x128xi32, #tpu.memory_space<vmem>> -> memref<1x2x128xi32, #tpu.memory_space<vmem>>
        %dma_start3A_86 = tpu.memref_squeeze %dma_start3A_85 : memref<1x2x128xi32, #tpu.memory_space<vmem>> -> memref<2x128xi32, #tpu.memory_space<vmem>>
        %dma_start3A_87 = arith.constant 0 : i32
        %dma_start3A_88 = arith.constant 0 : i32
        %dma_start3A_89 = tpu.memref_slice %arg3[%add3A_79, %dma_start3A_87, %dma_start3A_88] : memref<2560x2x128xi32, #tpu.memory_space<hbm>> -> memref<1x2x128xi32, #tpu.memory_space<hbm>>
        %dma_start3A_90 = tpu.memref_squeeze %dma_start3A_89 : memref<1x2x128xi32, #tpu.memory_space<hbm>> -> memref<2x128xi32, #tpu.memory_space<hbm>>
        %dma_start3A_91 = arith.constant 0 : i32
        %dma_start3A_92 = arith.constant 0 : i32
        %dma_start3A_93 = tpu.memref_slice %arg6[%rem3A_83, %dma_start3A_91, %dma_start3A_92] : memref<4x2x128xi32, #tpu.memory_space<vmem>> -> memref<1x2x128xi32, #tpu.memory_space<vmem>>
        %dma_start3A_94 = tpu.memref_squeeze %dma_start3A_93 : memref<1x2x128xi32, #tpu.memory_space<vmem>> -> memref<2x128xi32, #tpu.memory_space<vmem>>
        %dma_start3A_95 = arith.constant 0 : i32
        %dma_start3A_96 = arith.constant 0 : i32
        %dma_start3A_97 = tpu.memref_slice %arg3[%add3A_79, %dma_start3A_95, %dma_start3A_96] : memref<2560x2x128xi32, #tpu.memory_space<hbm>> -> memref<1x2x128xi32, #tpu.memory_space<hbm>>
        %dma_start3A_98 = tpu.memref_squeeze %dma_start3A_97 : memref<1x2x128xi32, #tpu.memory_space<hbm>> -> memref<2x128xi32, #tpu.memory_space<hbm>>
        tpu.enqueue_dma source(%dma_start3A_98 : memref<2x128xi32, #tpu.memory_space<hbm>>) target(%dma_start3A_94 : memref<2x128xi32, #tpu.memory_space<vmem>>) target_semaphore(%arg9 : memref<!tpu.dma_semaphore, #tpu.memory_space<semaphore_mem>>)
      } else {
      }
      %add3A_71 = arith.constant 2 : i32
      %add3A_72 = arith.addi %while3A_49, %add3A_71 : i32
      %lt3A_73 = arith.cmpi slt, %add3A_72, %select_n3A : i32
      %convert_element_type3A_74 = arith.extui %lt3A_73 : i1 to i32
      %cond3A_75 = arith.constant 0 : i32
      %cond3A_76 = arith.cmpi ne, %convert_element_type3A_74, %cond3A_75 : i32
      scf.if %cond3A_76 {
        %add3A_77 = arith.constant 2 : i32
        %add3A_78 = arith.addi %while3A_49, %add3A_77 : i32
        %rem3A_79 = arith.constant 4 : i32
        %rem3A_80 = arith.remsi %add3A_78, %rem3A_79 : i32
        %dma_wait3A_81 = arith.constant 0 : i32
        %dma_wait3A_82 = arith.constant 0 : i32
        %dma_wait3A_83 = tpu.memref_slice %arg6[%rem3A_80, %dma_wait3A_81, %dma_wait3A_82] : memref<4x2x128xi32, #tpu.memory_space<vmem>> -> memref<1x2x128xi32, #tpu.memory_space<vmem>>
        %dma_wait3A_84 = tpu.memref_squeeze %dma_wait3A_83 : memref<1x2x128xi32, #tpu.memory_space<vmem>> -> memref<2x128xi32, #tpu.memory_space<vmem>>
        %dma_wait3A_85 = arith.constant 0 : i32
        %dma_wait3A_86 = arith.constant 0 : i32
        %dma_wait3A_87 = tpu.memref_slice %arg3[%select_n3A_8, %dma_wait3A_85, %dma_wait3A_86] : memref<2560x2x128xi32, #tpu.memory_space<hbm>> -> memref<1x2x128xi32, #tpu.memory_space<hbm>>
        %dma_wait3A_88 = tpu.memref_squeeze %dma_wait3A_87 : memref<1x2x128xi32, #tpu.memory_space<hbm>> -> memref<2x128xi32, #tpu.memory_space<hbm>>
        %dma_wait3A_89 = arith.constant 0 : i32
        %dma_wait3A_90 = arith.constant 0 : i32
        %dma_wait3A_91 = tpu.memref_slice %arg6[%rem3A_80, %dma_wait3A_89, %dma_wait3A_90] : memref<4x2x128xi32, #tpu.memory_space<vmem>> -> memref<1x2x128xi32, #tpu.memory_space<vmem>>
        %dma_wait3A_92 = tpu.memref_squeeze %dma_wait3A_91 : memref<1x2x128xi32, #tpu.memory_space<vmem>> -> memref<2x128xi32, #tpu.memory_space<vmem>>
        %dma_wait3A_93 = arith.constant 0 : i32
        %dma_wait3A_94 = arith.constant 0 : i32
        %dma_wait3A_95 = tpu.memref_slice %arg3[%select_n3A_8, %dma_wait3A_93, %dma_wait3A_94] : memref<2560x2x128xi32, #tpu.memory_space<hbm>> -> memref<1x2x128xi32, #tpu.memory_space<hbm>>
        %dma_wait3A_96 = tpu.memref_squeeze %dma_wait3A_95 : memref<1x2x128xi32, #tpu.memory_space<hbm>> -> memref<2x128xi32, #tpu.memory_space<hbm>>
        tpu.wait_dma2 semaphore(%arg9 : memref<!tpu.dma_semaphore, #tpu.memory_space<semaphore_mem>>) src(%dma_wait3A_96 : memref<2x128xi32, #tpu.memory_space<hbm>>) dst(%dma_wait3A_92 : memref<2x128xi32, #tpu.memory_space<vmem>>)
        %dma_start3A = arith.constant 0 : i32
        %dma_start3A_97 = arith.constant 0 : i32
        %dma_start3A_98 = arith.constant 0 : i32
        %dma_start3A_99 = tpu.memref_slice %arg7[%rem3A_50, %dma_start3A_97, %dma_start3A_98] : memref<2x128x128xf32, #tpu.memory_space<vmem>> -> memref<1x128x128xf32, #tpu.memory_space<vmem>>
        %dma_start3A_100 = tpu.memref_squeeze %dma_start3A_99 : memref<1x128x128xf32, #tpu.memory_space<vmem>> -> memref<128x128xf32, #tpu.memory_space<vmem>>
        %dma_start3A_101 = arith.constant 0 : i32
        %dma_start3A_102 = tpu.memref_slice %arg6[%rem3A_80, %dma_start3A, %dma_start3A_101] : memref<4x2x128xi32, #tpu.memory_space<vmem>> -> memref<1x1x128xi32, #tpu.memory_space<vmem>>
        %dma_start3A_103 = tpu.memref_squeeze %dma_start3A_102 : memref<1x1x128xi32, #tpu.memory_space<vmem>> -> memref<128xi32, #tpu.memory_space<vmem>>
        %dma_start3A_104 = arith.constant 0 : i32
        %dma_start3A_105 = arith.constant 0 : i32
        %dma_start3A_106 = tpu.memref_slice %arg2[%dma_start3A_104, %dma_start3A_105] : memref<10000x128xf32, #tpu.memory_space<hbm>> -> memref<10000x128xf32, #tpu.memory_space<hbm>>
        tpu.enqueue_indirect_dma source(%dma_start3A_106 : memref<10000x128xf32, #tpu.memory_space<hbm>>) target(%dma_start3A_100 : memref<128x128xf32, #tpu.memory_space<vmem>>) offsets(%dma_start3A_103 : memref<128xi32, #tpu.memory_space<vmem>>) semaphore(%arg10 : memref<!tpu.dma_semaphore, #tpu.memory_space<semaphore_mem>>)
      } else {
      }
    }
    %while3A_43 = arith.constant 1 : i32
    scf.for %while3A_49 = %while3A_41 to %while3A_37 step %while3A_43  : i32 {
      %rem3A = arith.constant 2 : i32
      %rem3A_50 = arith.remsi %while3A_49, %rem3A : i32
      %rem3A_51 = arith.constant 4 : i32
      %rem3A_52 = arith.remsi %while3A_49, %rem3A_51 : i32
      %dma_wait3A = arith.constant 0 : i32
      %dma_wait3A_53 = arith.constant 0 : i32
      %dma_wait3A_54 = tpu.memref_slice %arg7[%rem3A_50, %dma_wait3A, %dma_wait3A_53] : memref<2x128x128xf32, #tpu.memory_space<vmem>> -> memref<1x128x128xf32, #tpu.memory_space<vmem>>
      %dma_wait3A_55 = tpu.memref_squeeze %dma_wait3A_54 : memref<1x128x128xf32, #tpu.memory_space<vmem>> -> memref<128x128xf32, #tpu.memory_space<vmem>>
      %dma_wait3A_56 = arith.constant 0 : i32
      %dma_wait3A_57 = arith.constant 0 : i32
      %dma_wait3A_58 = tpu.memref_slice %arg2[%dma_wait3A_56, %dma_wait3A_57] : memref<10000x128xf32, #tpu.memory_space<hbm>> -> memref<128x128xf32, #tpu.memory_space<hbm>>
      %dma_wait3A_59 = arith.constant 0 : i32
      %dma_wait3A_60 = arith.constant 0 : i32
      %dma_wait3A_61 = tpu.memref_slice %arg7[%rem3A_50, %dma_wait3A_59, %dma_wait3A_60] : memref<2x128x128xf32, #tpu.memory_space<vmem>> -> memref<1x128x128xf32, #tpu.memory_space<vmem>>
      %dma_wait3A_62 = tpu.memref_squeeze %dma_wait3A_61 : memref<1x128x128xf32, #tpu.memory_space<vmem>> -> memref<128x128xf32, #tpu.memory_space<vmem>>
      %dma_wait3A_63 = arith.constant 0 : i32
      %dma_wait3A_64 = arith.constant 0 : i32
      %dma_wait3A_65 = tpu.memref_slice %arg2[%dma_wait3A_63, %dma_wait3A_64] : memref<10000x128xf32, #tpu.memory_space<hbm>> -> memref<128x128xf32, #tpu.memory_space<hbm>>
      tpu.wait_dma2 semaphore(%arg10 : memref<!tpu.dma_semaphore, #tpu.memory_space<semaphore_mem>>) src(%dma_wait3A_65 : memref<128x128xf32, #tpu.memory_space<hbm>>) dst(%dma_wait3A_62 : memref<128x128xf32, #tpu.memory_space<vmem>>)
      %run_scoped3A = arith.constant 1 : i32
      "tpu.region"() ({
        %run_scoped3A_77 = tpu.sem_alloc : memref<!tpu.dma_semaphore, #tpu.memory_space<semaphore_mem>>
        %dma_start3A = arith.constant 0 : i32
        %dma_start3A_78 = arith.constant 0 : i32
        %dma_start3A_79 = tpu.memref_slice %arg7[%rem3A_50, %dma_start3A, %dma_start3A_78] : memref<2x128x128xf32, #tpu.memory_space<vmem>> -> memref<1x128x128xf32, #tpu.memory_space<vmem>>
        %dma_start3A_80 = tpu.memref_squeeze %dma_start3A_79 : memref<1x128x128xf32, #tpu.memory_space<vmem>> -> memref<128x128xf32, #tpu.memory_space<vmem>>
        %dma_start3A_81 = arith.constant 0 : i32
        %dma_start3A_82 = tpu.memref_slice %arg6[%rem3A_52, %run_scoped3A, %dma_start3A_81] : memref<4x2x128xi32, #tpu.memory_space<vmem>> -> memref<1x1x128xi32, #tpu.memory_space<vmem>>
        %dma_start3A_83 = tpu.memref_squeeze %dma_start3A_82 : memref<1x1x128xi32, #tpu.memory_space<vmem>> -> memref<128xi32, #tpu.memory_space<vmem>>
        %dma_start3A_84 = arith.constant 0 : i32
        %dma_start3A_85 = arith.constant 0 : i32
        %dma_start3A_86 = tpu.memref_slice %arg8[%dma_start3A_84, %dma_start3A_85] : memref<10240x128xf32, #tpu.memory_space<vmem_shared>> -> memref<10240x128xf32, #tpu.memory_space<vmem_shared>>
        tpu.enqueue_indirect_dma source(%dma_start3A_80 : memref<128x128xf32, #tpu.memory_space<vmem>>) target(%dma_start3A_86 : memref<10240x128xf32, #tpu.memory_space<vmem_shared>>) offsets(%dma_start3A_83 : memref<128xi32, #tpu.memory_space<vmem>>) semaphore(%run_scoped3A_77 : memref<!tpu.dma_semaphore, #tpu.memory_space<semaphore_mem>>) {add = true}
        %dma_wait3A_87 = arith.constant 0 : i32
        %dma_wait3A_88 = arith.constant 0 : i32
        %dma_wait3A_89 = tpu.memref_slice %arg7[%rem3A_50, %dma_wait3A_87, %dma_wait3A_88] : memref<2x128x128xf32, #tpu.memory_space<vmem>> -> memref<1x128x128xf32, #tpu.memory_space<vmem>>
        %dma_wait3A_90 = tpu.memref_squeeze %dma_wait3A_89 : memref<1x128x128xf32, #tpu.memory_space<vmem>> -> memref<128x128xf32, #tpu.memory_space<vmem>>
        %dma_wait3A_91 = arith.constant 0 : i32
        %dma_wait3A_92 = tpu.memref_slice %arg6[%rem3A_52, %run_scoped3A, %dma_wait3A_91] : memref<4x2x128xi32, #tpu.memory_space<vmem>> -> memref<1x1x128xi32, #tpu.memory_space<vmem>>
        %dma_wait3A_93 = tpu.memref_squeeze %dma_wait3A_92 : memref<1x1x128xi32, #tpu.memory_space<vmem>> -> memref<128xi32, #tpu.memory_space<vmem>>
        %dma_wait3A_94 = arith.constant 0 : i32
        %dma_wait3A_95 = arith.constant 0 : i32
        %dma_wait3A_96 = tpu.memref_slice %arg8[%dma_wait3A_94, %dma_wait3A_95] : memref<10240x128xf32, #tpu.memory_space<vmem_shared>> -> memref<10240x128xf32, #tpu.memory_space<vmem_shared>>
        tpu.wait_indirect_dma semaphore(%run_scoped3A_77 : memref<!tpu.dma_semaphore, #tpu.memory_space<semaphore_mem>>) src(%dma_wait3A_90 : memref<128x128xf32, #tpu.memory_space<vmem>>) dst(%dma_wait3A_96 : memref<10240x128xf32, #tpu.memory_space<vmem_shared>>)
        tpu.yield
      }) : () -> ()
      %add3A_66 = arith.constant 3 : i32
      %add3A_67 = arith.addi %while3A_49, %add3A_66 : i32
      %lt3A = arith.cmpi slt, %add3A_67, %select_n3A : i32
      %convert_element_type3A_68 = arith.extui %lt3A : i1 to i32
      %cond3A_69 = arith.constant 0 : i32
      %cond3A_70 = arith.cmpi ne, %convert_element_type3A_68, %cond3A_69 : i32
      scf.if %cond3A_70 {
        %add3A_77 = arith.addi %select_n3A_8, %while3A_49 : i32
        %add3A_78 = arith.constant 3 : i32
        %add3A_79 = arith.addi %add3A_77, %add3A_78 : i32
        %add3A_80 = arith.constant 3 : i32
        %add3A_81 = arith.addi %while3A_49, %add3A_80 : i32
        %rem3A_82 = arith.constant 4 : i32
        %rem3A_83 = arith.remsi %add3A_81, %rem3A_82 : i32
        %dma_start3A = arith.constant 0 : i32
        %dma_start3A_84 = arith.constant 0 : i32
        %dma_start3A_85 = tpu.memref_slice %arg6[%rem3A_83, %dma_start3A, %dma_start3A_84] : memref<4x2x128xi32, #tpu.memory_space<vmem>> -> memref<1x2x128xi32, #tpu.memory_space<vmem>>
        %dma_start3A_86 = tpu.memref_squeeze %dma_start3A_85 : memref<1x2x128xi32, #tpu.memory_space<vmem>> -> memref<2x128xi32, #tpu.memory_space<vmem>>
        %dma_start3A_87 = arith.constant 0 : i32
        %dma_start3A_88 = arith.constant 0 : i32
        %dma_start3A_89 = tpu.memref_slice %arg3[%add3A_79, %dma_start3A_87, %dma_start3A_88] : memref<2560x2x128xi32, #tpu.memory_space<hbm>> -> memref<1x2x128xi32, #tpu.memory_space<hbm>>
        %dma_start3A_90 = tpu.memref_squeeze %dma_start3A_89 : memref<1x2x128xi32, #tpu.memory_space<hbm>> -> memref<2x128xi32, #tpu.memory_space<hbm>>
        %dma_start3A_91 = arith.constant 0 : i32
        %dma_start3A_92 = arith.constant 0 : i32
        %dma_start3A_93 = tpu.memref_slice %arg6[%rem3A_83, %dma_start3A_91, %dma_start3A_92] : memref<4x2x128xi32, #tpu.memory_space<vmem>> -> memref<1x2x128xi32, #tpu.memory_space<vmem>>
        %dma_start3A_94 = tpu.memref_squeeze %dma_start3A_93 : memref<1x2x128xi32, #tpu.memory_space<vmem>> -> memref<2x128xi32, #tpu.memory_space<vmem>>
        %dma_start3A_95 = arith.constant 0 : i32
        %dma_start3A_96 = arith.constant 0 : i32
        %dma_start3A_97 = tpu.memref_slice %arg3[%add3A_79, %dma_start3A_95, %dma_start3A_96] : memref<2560x2x128xi32, #tpu.memory_space<hbm>> -> memref<1x2x128xi32, #tpu.memory_space<hbm>>
        %dma_start3A_98 = tpu.memref_squeeze %dma_start3A_97 : memref<1x2x128xi32, #tpu.memory_space<hbm>> -> memref<2x128xi32, #tpu.memory_space<hbm>>
        tpu.enqueue_dma source(%dma_start3A_98 : memref<2x128xi32, #tpu.memory_space<hbm>>) target(%dma_start3A_94 : memref<2x128xi32, #tpu.memory_space<vmem>>) target_semaphore(%arg9 : memref<!tpu.dma_semaphore, #tpu.memory_space<semaphore_mem>>)
      } else {
      }
      %add3A_71 = arith.constant 2 : i32
      %add3A_72 = arith.addi %while3A_49, %add3A_71 : i32
      %lt3A_73 = arith.cmpi slt, %add3A_72, %select_n3A : i32
      %convert_element_type3A_74 = arith.extui %lt3A_73 : i1 to i32
      %cond3A_75 = arith.constant 0 : i32
      %cond3A_76 = arith.cmpi ne, %convert_element_type3A_74, %cond3A_75 : i32
      scf.if %cond3A_76 {
        %add3A_77 = arith.constant 2 : i32
        %add3A_78 = arith.addi %while3A_49, %add3A_77 : i32
        %rem3A_79 = arith.constant 4 : i32
        %rem3A_80 = arith.remsi %add3A_78, %rem3A_79 : i32
        %dma_wait3A_81 = arith.constant 0 : i32
        %dma_wait3A_82 = arith.constant 0 : i32
        %dma_wait3A_83 = tpu.memref_slice %arg6[%rem3A_80, %dma_wait3A_81, %dma_wait3A_82] : memref<4x2x128xi32, #tpu.memory_space<vmem>> -> memref<1x2x128xi32, #tpu.memory_space<vmem>>
        %dma_wait3A_84 = tpu.memref_squeeze %dma_wait3A_83 : memref<1x2x128xi32, #tpu.memory_space<vmem>> -> memref<2x128xi32, #tpu.memory_space<vmem>>
        %dma_wait3A_85 = arith.constant 0 : i32
        %dma_wait3A_86 = arith.constant 0 : i32
        %dma_wait3A_87 = tpu.memref_slice %arg3[%select_n3A_8, %dma_wait3A_85, %dma_wait3A_86] : memref<2560x2x128xi32, #tpu.memory_space<hbm>> -> memref<1x2x128xi32, #tpu.memory_space<hbm>>
        %dma_wait3A_88 = tpu.memref_squeeze %dma_wait3A_87 : memref<1x2x128xi32, #tpu.memory_space<hbm>> -> memref<2x128xi32, #tpu.memory_space<hbm>>
        %dma_wait3A_89 = arith.constant 0 : i32
        %dma_wait3A_90 = arith.constant 0 : i32
        %dma_wait3A_91 = tpu.memref_slice %arg6[%rem3A_80, %dma_wait3A_89, %dma_wait3A_90] : memref<4x2x128xi32, #tpu.memory_space<vmem>> -> memref<1x2x128xi32, #tpu.memory_space<vmem>>
        %dma_wait3A_92 = tpu.memref_squeeze %dma_wait3A_91 : memref<1x2x128xi32, #tpu.memory_space<vmem>> -> memref<2x128xi32, #tpu.memory_space<vmem>>
        %dma_wait3A_93 = arith.constant 0 : i32
        %dma_wait3A_94 = arith.constant 0 : i32
        %dma_wait3A_95 = tpu.memref_slice %arg3[%select_n3A_8, %dma_wait3A_93, %dma_wait3A_94] : memref<2560x2x128xi32, #tpu.memory_space<hbm>> -> memref<1x2x128xi32, #tpu.memory_space<hbm>>
        %dma_wait3A_96 = tpu.memref_squeeze %dma_wait3A_95 : memref<1x2x128xi32, #tpu.memory_space<hbm>> -> memref<2x128xi32, #tpu.memory_space<hbm>>
        tpu.wait_dma2 semaphore(%arg9 : memref<!tpu.dma_semaphore, #tpu.memory_space<semaphore_mem>>) src(%dma_wait3A_96 : memref<2x128xi32, #tpu.memory_space<hbm>>) dst(%dma_wait3A_92 : memref<2x128xi32, #tpu.memory_space<vmem>>)
        %dma_start3A = arith.constant 0 : i32
        %dma_start3A_97 = arith.constant 0 : i32
        %dma_start3A_98 = arith.constant 0 : i32
        %dma_start3A_99 = tpu.memref_slice %arg7[%rem3A_50, %dma_start3A_97, %dma_start3A_98] : memref<2x128x128xf32, #tpu.memory_space<vmem>> -> memref<1x128x128xf32, #tpu.memory_space<vmem>>
        %dma_start3A_100 = tpu.memref_squeeze %dma_start3A_99 : memref<1x128x128xf32, #tpu.memory_space<vmem>> -> memref<128x128xf32, #tpu.memory_space<vmem>>
        %dma_start3A_101 = arith.constant 0 : i32
        %dma_start3A_102 = tpu.memref_slice %arg6[%rem3A_80, %dma_start3A, %dma_start3A_101] : memref<4x2x128xi32, #tpu.memory_space<vmem>> -> memref<1x1x128xi32, #tpu.memory_space<vmem>>
        %dma_start3A_103 = tpu.memref_squeeze %dma_start3A_102 : memref<1x1x128xi32, #tpu.memory_space<vmem>> -> memref<128xi32, #tpu.memory_space<vmem>>
        %dma_start3A_104 = arith.constant 0 : i32
        %dma_start3A_105 = arith.constant 0 : i32
        %dma_start3A_106 = tpu.memref_slice %arg2[%dma_start3A_104, %dma_start3A_105] : memref<10000x128xf32, #tpu.memory_space<hbm>> -> memref<10000x128xf32, #tpu.memory_space<hbm>>
        tpu.enqueue_indirect_dma source(%dma_start3A_106 : memref<10000x128xf32, #tpu.memory_space<hbm>>) target(%dma_start3A_100 : memref<128x128xf32, #tpu.memory_space<vmem>>) offsets(%dma_start3A_103 : memref<128xi32, #tpu.memory_space<vmem>>) semaphore(%arg10 : memref<!tpu.dma_semaphore, #tpu.memory_space<semaphore_mem>>)
      } else {
      }
    }
    %barrier3A_44 = arith.constant 0 : index
    tpu.barrier barrier_id(%barrier3A_44)
    %mul3A_45 = arith.constant 640 : i32
    %mul3A_46 = arith.muli %arg1, %mul3A_45 : i32
    %mul3A_47 = arith.constant 640 : i32
    %mul3A_48 = arith.muli %arg1, %mul3A_47 : i32
    "tpu.region"() ({
      %run_scoped3A = tpu.sem_alloc : memref<!tpu.dma_semaphore, #tpu.memory_space<semaphore_mem>>
      %dma_start3A = arith.constant 0 : i32
      %dma_start3A_49 = tpu.memref_slice %arg5[%arg0, %mul3A_48, %dma_start3A] : memref<2x10240x128xf32, #tpu.memory_space<hbm>> -> memref<1x640x128xf32, #tpu.memory_space<hbm>>
      %dma_start3A_50 = tpu.memref_squeeze %dma_start3A_49 : memref<1x640x128xf32, #tpu.memory_space<hbm>> -> memref<640x128xf32, #tpu.memory_space<hbm>>
      %dma_start3A_51 = arith.constant 0 : i32
      %dma_start3A_52 = tpu.memref_slice %arg8[%mul3A_46, %dma_start3A_51] : memref<10240x128xf32, #tpu.memory_space<vmem_shared>> -> memref<640x128xf32, #tpu.memory_space<vmem_shared>>
      tpu.enqueue_dma source(%dma_start3A_52 : memref<640x128xf32, #tpu.memory_space<vmem_shared>>) target(%dma_start3A_50 : memref<640x128xf32, #tpu.memory_space<hbm>>) target_semaphore(%run_scoped3A : memref<!tpu.dma_semaphore, #tpu.memory_space<semaphore_mem>>)
      %dma_wait3A = arith.constant 0 : i32
      %dma_wait3A_53 = tpu.memref_slice %arg5[%arg0, %mul3A_48, %dma_wait3A] : memref<2x10240x128xf32, #tpu.memory_space<hbm>> -> memref<1x640x128xf32, #tpu.memory_space<hbm>>
      %dma_wait3A_54 = tpu.memref_squeeze %dma_wait3A_53 : memref<1x640x128xf32, #tpu.memory_space<hbm>> -> memref<640x128xf32, #tpu.memory_space<hbm>>
      %dma_wait3A_55 = arith.constant 0 : i32
      %dma_wait3A_56 = tpu.memref_slice %arg8[%mul3A_46, %dma_wait3A_55] : memref<10240x128xf32, #tpu.memory_space<vmem_shared>> -> memref<640x128xf32, #tpu.memory_space<vmem_shared>>
      tpu.wait_dma2 semaphore(%run_scoped3A : memref<!tpu.dma_semaphore, #tpu.memory_space<semaphore_mem>>) src(%dma_wait3A_56 : memref<640x128xf32, #tpu.memory_space<vmem_shared>>) dst(%dma_wait3A_54 : memref<640x128xf32, #tpu.memory_space<hbm>>)
      tpu.yield
    }) : () -> ()
    return
  }
}

#map = affine_map<(d0, d1) -> (0, 0, 0)>
#map1 = affine_map<(d0, d1) -> (0, 0)>
module attributes {stable_mosaic.version = 14 : i64} {
  func.func @_deg_body(%arg0: i32, %arg1: i32, %arg2: memref<32x80x128xi32, #tpu.memory_space<hbm>>, %arg3: memref<10240x128xf32, #tpu.memory_space<hbm>>, %arg4: memref<128x128xf32, #tpu.memory_space<hbm>>, %arg5: memref<2x10240x128xf32, #tpu.memory_space<hbm>>, %arg6: memref<80x128xi32, #tpu.memory_space<vmem>>, %arg7: memref<128x128xf32, #tpu.memory_space<vmem>>, %arg8: memref<10240x128xf32, #tpu.memory_space<vmem_shared>>) attributes {dimension_semantics = [#tpu.dimension_semantics<core_parallel>, #tpu.dimension_semantics<subcore_parallel>], iteration_bounds = array<i64: 2, 16>, scalar_prefetch = 0 : i64, scratch_operands = 3 : i64, tpu.core_type = #tpu.core_type<sc_vector_subcore>, window_params = [{transform_indices = #map}, {transform_indices = #map1}, {transform_indices = #map1}, {transform_indices = #map}]} {
    %mul3A = arith.constant 16 : i32
    %mul3A_0 = arith.muli %arg0, %mul3A : i32
    %add3A = arith.addi %mul3A_0, %arg1 : i32
    %mul3A_1 = arith.constant 640 : i32
    %mul3A_2 = arith.muli %arg1, %mul3A_1 : i32
    %mul3A_3 = arith.constant 640 : i32
    %mul3A_4 = arith.muli %arg1, %mul3A_3 : i32
    "tpu.region"() ({
      %run_scoped3A = tpu.sem_alloc : memref<!tpu.dma_semaphore, #tpu.memory_space<semaphore_mem>>
      %dma_start3A = arith.constant 0 : i32
      %dma_start3A_15 = tpu.memref_slice %arg8[%mul3A_4, %dma_start3A] : memref<10240x128xf32, #tpu.memory_space<vmem_shared>> -> memref<640x128xf32, #tpu.memory_space<vmem_shared>>
      %dma_start3A_16 = arith.constant 0 : i32
      %dma_start3A_17 = tpu.memref_slice %arg3[%mul3A_2, %dma_start3A_16] : memref<10240x128xf32, #tpu.memory_space<hbm>> -> memref<640x128xf32, #tpu.memory_space<hbm>>
      tpu.enqueue_dma source(%dma_start3A_17 : memref<640x128xf32, #tpu.memory_space<hbm>>) target(%dma_start3A_15 : memref<640x128xf32, #tpu.memory_space<vmem_shared>>) target_semaphore(%run_scoped3A : memref<!tpu.dma_semaphore, #tpu.memory_space<semaphore_mem>>)
      %dma_wait3A = arith.constant 0 : i32
      %dma_wait3A_18 = tpu.memref_slice %arg8[%mul3A_4, %dma_wait3A] : memref<10240x128xf32, #tpu.memory_space<vmem_shared>> -> memref<640x128xf32, #tpu.memory_space<vmem_shared>>
      %dma_wait3A_19 = arith.constant 0 : i32
      %dma_wait3A_20 = tpu.memref_slice %arg3[%mul3A_2, %dma_wait3A_19] : memref<10240x128xf32, #tpu.memory_space<hbm>> -> memref<640x128xf32, #tpu.memory_space<hbm>>
      tpu.wait_dma2 semaphore(%run_scoped3A : memref<!tpu.dma_semaphore, #tpu.memory_space<semaphore_mem>>) src(%dma_wait3A_20 : memref<640x128xf32, #tpu.memory_space<hbm>>) dst(%dma_wait3A_18 : memref<640x128xf32, #tpu.memory_space<vmem_shared>>)
      tpu.yield
    }) : () -> ()
    "tpu.region"() ({
      %run_scoped3A = tpu.sem_alloc : memref<!tpu.dma_semaphore, #tpu.memory_space<semaphore_mem>>
      %dma_start3A = arith.constant 0 : i32
      %dma_start3A_15 = arith.constant 0 : i32
      %dma_start3A_16 = tpu.memref_slice %arg2[%add3A, %dma_start3A, %dma_start3A_15] : memref<32x80x128xi32, #tpu.memory_space<hbm>> -> memref<1x80x128xi32, #tpu.memory_space<hbm>>
      %dma_start3A_17 = tpu.memref_squeeze %dma_start3A_16 : memref<1x80x128xi32, #tpu.memory_space<hbm>> -> memref<80x128xi32, #tpu.memory_space<hbm>>
      %dma_start3A_18 = arith.constant 0 : i32
      %dma_start3A_19 = arith.constant 0 : i32
      %dma_start3A_20 = tpu.memref_slice %arg2[%add3A, %dma_start3A_18, %dma_start3A_19] : memref<32x80x128xi32, #tpu.memory_space<hbm>> -> memref<1x80x128xi32, #tpu.memory_space<hbm>>
      %dma_start3A_21 = tpu.memref_squeeze %dma_start3A_20 : memref<1x80x128xi32, #tpu.memory_space<hbm>> -> memref<80x128xi32, #tpu.memory_space<hbm>>
      tpu.enqueue_dma source(%dma_start3A_21 : memref<80x128xi32, #tpu.memory_space<hbm>>) target(%arg6 : memref<80x128xi32, #tpu.memory_space<vmem>>) target_semaphore(%run_scoped3A : memref<!tpu.dma_semaphore, #tpu.memory_space<semaphore_mem>>)
      %dma_wait3A = arith.constant 0 : i32
      %dma_wait3A_22 = arith.constant 0 : i32
      %dma_wait3A_23 = tpu.memref_slice %arg2[%add3A, %dma_wait3A, %dma_wait3A_22] : memref<32x80x128xi32, #tpu.memory_space<hbm>> -> memref<1x80x128xi32, #tpu.memory_space<hbm>>
      %dma_wait3A_24 = tpu.memref_squeeze %dma_wait3A_23 : memref<1x80x128xi32, #tpu.memory_space<hbm>> -> memref<80x128xi32, #tpu.memory_space<hbm>>
      %dma_wait3A_25 = arith.constant 0 : i32
      %dma_wait3A_26 = arith.constant 0 : i32
      %dma_wait3A_27 = tpu.memref_slice %arg2[%add3A, %dma_wait3A_25, %dma_wait3A_26] : memref<32x80x128xi32, #tpu.memory_space<hbm>> -> memref<1x80x128xi32, #tpu.memory_space<hbm>>
      %dma_wait3A_28 = tpu.memref_squeeze %dma_wait3A_27 : memref<1x80x128xi32, #tpu.memory_space<hbm>> -> memref<80x128xi32, #tpu.memory_space<hbm>>
      tpu.wait_dma2 semaphore(%run_scoped3A : memref<!tpu.dma_semaphore, #tpu.memory_space<semaphore_mem>>) src(%dma_wait3A_28 : memref<80x128xi32, #tpu.memory_space<hbm>>) dst(%arg6 : memref<80x128xi32, #tpu.memory_space<vmem>>)
      tpu.yield
    }) : () -> ()
    "tpu.region"() ({
      %run_scoped3A = tpu.sem_alloc : memref<!tpu.dma_semaphore, #tpu.memory_space<semaphore_mem>>
      %dma_start3A = arith.constant 0 : i32
      %dma_start3A_15 = arith.constant 0 : i32
      %dma_start3A_16 = tpu.memref_slice %arg4[%dma_start3A, %dma_start3A_15] : memref<128x128xf32, #tpu.memory_space<hbm>> -> memref<128x128xf32, #tpu.memory_space<hbm>>
      %dma_start3A_17 = arith.constant 0 : i32
      %dma_start3A_18 = arith.constant 0 : i32
      %dma_start3A_19 = tpu.memref_slice %arg4[%dma_start3A_17, %dma_start3A_18] : memref<128x128xf32, #tpu.memory_space<hbm>> -> memref<128x128xf32, #tpu.memory_space<hbm>>
      tpu.enqueue_dma source(%dma_start3A_19 : memref<128x128xf32, #tpu.memory_space<hbm>>) target(%arg7 : memref<128x128xf32, #tpu.memory_space<vmem>>) target_semaphore(%run_scoped3A : memref<!tpu.dma_semaphore, #tpu.memory_space<semaphore_mem>>)
      %dma_wait3A = arith.constant 0 : i32
      %dma_wait3A_20 = arith.constant 0 : i32
      %dma_wait3A_21 = tpu.memref_slice %arg4[%dma_wait3A, %dma_wait3A_20] : memref<128x128xf32, #tpu.memory_space<hbm>> -> memref<128x128xf32, #tpu.memory_space<hbm>>
      %dma_wait3A_22 = arith.constant 0 : i32
      %dma_wait3A_23 = arith.constant 0 : i32
      %dma_wait3A_24 = tpu.memref_slice %arg4[%dma_wait3A_22, %dma_wait3A_23] : memref<128x128xf32, #tpu.memory_space<hbm>> -> memref<128x128xf32, #tpu.memory_space<hbm>>
      tpu.wait_dma2 semaphore(%run_scoped3A : memref<!tpu.dma_semaphore, #tpu.memory_space<semaphore_mem>>) src(%dma_wait3A_24 : memref<128x128xf32, #tpu.memory_space<hbm>>) dst(%arg7 : memref<128x128xf32, #tpu.memory_space<vmem>>)
      tpu.yield
    }) : () -> ()
    %barrier3A = arith.constant 0 : index
    tpu.barrier barrier_id(%barrier3A)
    %scan3A = arith.constant 0 : i32
    %scan3A_5 = arith.constant 0 : i32
    %scan3A_6 = arith.constant 80 : i32
    %scan3A_7 = arith.addi %scan3A_5, %scan3A_6 : i32
    %scan3A_8 = arith.constant 1 : i32
    scf.for %scan3A_15 = %scan3A_5 to %scan3A_7 step %scan3A_8  : i32 {
      "tpu.region"() ({
        %run_scoped3A = tpu.sem_alloc : memref<!tpu.dma_semaphore, #tpu.memory_space<semaphore_mem>>
        %dma_start3A = arith.constant 0 : i32
        %dma_start3A_16 = tpu.memref_slice %arg6[%scan3A_15, %dma_start3A] : memref<80x128xi32, #tpu.memory_space<vmem>> -> memref<1x128xi32, #tpu.memory_space<vmem>>
        %dma_start3A_17 = tpu.memref_squeeze %dma_start3A_16 : memref<1x128xi32, #tpu.memory_space<vmem>> -> memref<128xi32, #tpu.memory_space<vmem>>
        %dma_start3A_18 = arith.constant 0 : i32
        %dma_start3A_19 = arith.constant 0 : i32
        %dma_start3A_20 = tpu.memref_slice %arg8[%dma_start3A_18, %dma_start3A_19] : memref<10240x128xf32, #tpu.memory_space<vmem_shared>> -> memref<10240x128xf32, #tpu.memory_space<vmem_shared>>
        tpu.enqueue_indirect_dma source(%arg7 : memref<128x128xf32, #tpu.memory_space<vmem>>) target(%dma_start3A_20 : memref<10240x128xf32, #tpu.memory_space<vmem_shared>>) offsets(%dma_start3A_17 : memref<128xi32, #tpu.memory_space<vmem>>) semaphore(%run_scoped3A : memref<!tpu.dma_semaphore, #tpu.memory_space<semaphore_mem>>) {add = true}
        %dma_wait3A = arith.constant 0 : i32
        %dma_wait3A_21 = tpu.memref_slice %arg6[%scan3A_15, %dma_wait3A] : memref<80x128xi32, #tpu.memory_space<vmem>> -> memref<1x128xi32, #tpu.memory_space<vmem>>
        %dma_wait3A_22 = tpu.memref_squeeze %dma_wait3A_21 : memref<1x128xi32, #tpu.memory_space<vmem>> -> memref<128xi32, #tpu.memory_space<vmem>>
        %dma_wait3A_23 = arith.constant 0 : i32
        %dma_wait3A_24 = arith.constant 0 : i32
        %dma_wait3A_25 = tpu.memref_slice %arg8[%dma_wait3A_23, %dma_wait3A_24] : memref<10240x128xf32, #tpu.memory_space<vmem_shared>> -> memref<10240x128xf32, #tpu.memory_space<vmem_shared>>
        tpu.wait_indirect_dma semaphore(%run_scoped3A : memref<!tpu.dma_semaphore, #tpu.memory_space<semaphore_mem>>) src(%arg7 : memref<128x128xf32, #tpu.memory_space<vmem>>) dst(%dma_wait3A_25 : memref<10240x128xf32, #tpu.memory_space<vmem_shared>>)
        tpu.yield
      }) : () -> ()
    }
    %scan3A_9 = arith.constant 80 : i32
    %barrier3A_10 = arith.constant 0 : index
    tpu.barrier barrier_id(%barrier3A_10)
    %mul3A_11 = arith.constant 640 : i32
    %mul3A_12 = arith.muli %arg1, %mul3A_11 : i32
    %mul3A_13 = arith.constant 640 : i32
    %mul3A_14 = arith.muli %arg1, %mul3A_13 : i32
    "tpu.region"() ({
      %run_scoped3A = tpu.sem_alloc : memref<!tpu.dma_semaphore, #tpu.memory_space<semaphore_mem>>
      %dma_start3A = arith.constant 0 : i32
      %dma_start3A_15 = tpu.memref_slice %arg5[%arg0, %mul3A_14, %dma_start3A] : memref<2x10240x128xf32, #tpu.memory_space<hbm>> -> memref<1x640x128xf32, #tpu.memory_space<hbm>>
      %dma_start3A_16 = tpu.memref_squeeze %dma_start3A_15 : memref<1x640x128xf32, #tpu.memory_space<hbm>> -> memref<640x128xf32, #tpu.memory_space<hbm>>
      %dma_start3A_17 = arith.constant 0 : i32
      %dma_start3A_18 = tpu.memref_slice %arg8[%mul3A_12, %dma_start3A_17] : memref<10240x128xf32, #tpu.memory_space<vmem_shared>> -> memref<640x128xf32, #tpu.memory_space<vmem_shared>>
      tpu.enqueue_dma source(%dma_start3A_18 : memref<640x128xf32, #tpu.memory_space<vmem_shared>>) target(%dma_start3A_16 : memref<640x128xf32, #tpu.memory_space<hbm>>) target_semaphore(%run_scoped3A : memref<!tpu.dma_semaphore, #tpu.memory_space<semaphore_mem>>)
      %dma_wait3A = arith.constant 0 : i32
      %dma_wait3A_19 = tpu.memref_slice %arg5[%arg0, %mul3A_14, %dma_wait3A] : memref<2x10240x128xf32, #tpu.memory_space<hbm>> -> memref<1x640x128xf32, #tpu.memory_space<hbm>>
      %dma_wait3A_20 = tpu.memref_squeeze %dma_wait3A_19 : memref<1x640x128xf32, #tpu.memory_space<hbm>> -> memref<640x128xf32, #tpu.memory_space<hbm>>
      %dma_wait3A_21 = arith.constant 0 : i32
      %dma_wait3A_22 = tpu.memref_slice %arg8[%mul3A_12, %dma_wait3A_21] : memref<10240x128xf32, #tpu.memory_space<vmem_shared>> -> memref<640x128xf32, #tpu.memory_space<vmem_shared>>
      tpu.wait_dma2 semaphore(%run_scoped3A : memref<!tpu.dma_semaphore, #tpu.memory_space<semaphore_mem>>) src(%dma_wait3A_22 : memref<640x128xf32, #tpu.memory_space<vmem_shared>>) dst(%dma_wait3A_20 : memref<640x128xf32, #tpu.memory_space<hbm>>)
      tpu.yield
    }) : () -> ()
    return
  }
}

#map = affine_map<(d0, d1) -> (0, 0)>
#map1 = affine_map<(d0, d1) -> (0, 0, 0)>
module attributes {stable_mosaic.version = 14 : i64} {
  func.func @_spmm_body(%arg0: i32, %arg1: i32, %arg2: memref<10000x128xf32, #tpu.memory_space<hbm>>, %arg3: memref<2560x2x128xi32, #tpu.memory_space<hbm>>, %arg4: memref<10240x128xf32, #tpu.memory_space<hbm>>, %arg5: memref<2x10240x128xf32, #tpu.memory_space<hbm>>, %arg6: memref<4x2x128xi32, #tpu.memory_space<vmem>>, %arg7: memref<2x128x128xf32, #tpu.memory_space<vmem>>, %arg8: memref<10240x128xf32, #tpu.memory_space<vmem_shared>>, %arg9: memref<!tpu.dma_semaphore, #tpu.memory_space<semaphore_mem>>, %arg10: memref<!tpu.dma_semaphore, #tpu.memory_space<semaphore_mem>>) attributes {dimension_semantics = [#tpu.dimension_semantics<core_parallel>, #tpu.dimension_semantics<subcore_parallel>], iteration_bounds = array<i64: 2, 16>, scalar_prefetch = 0 : i64, scratch_operands = 5 : i64, tpu.core_type = #tpu.core_type<sc_vector_subcore>, window_params = [{transform_indices = #map}, {transform_indices = #map1}, {transform_indices = #map}, {transform_indices = #map1}]} {
    %eq3A = arith.constant 0 : i32
    %eq3A_0 = arith.cmpi eq, %arg0, %eq3A : i32
    %jit3A = arith.constant 158 : i32
    %jit3A_1 = arith.constant 2 : i32
    %select_n3A = arith.select %eq3A_0, %jit3A, %jit3A_1 : i32
    %eq3A_2 = arith.constant 0 : i32
    %eq3A_3 = arith.cmpi eq, %arg0, %eq3A_2 : i32
    %mul3A = arith.constant 158 : i32
    %mul3A_4 = arith.muli %arg1, %mul3A : i32
    %mul3A_5 = arith.constant 2 : i32
    %mul3A_6 = arith.muli %arg1, %mul3A_5 : i32
    %add3A = arith.constant 2528 : i32
    %add3A_7 = arith.addi %add3A, %mul3A_6 : i32
    %select_n3A_8 = arith.select %eq3A_3, %mul3A_4, %add3A_7 : i32
    %mul3A_9 = arith.constant 640 : i32
    %mul3A_10 = arith.muli %arg1, %mul3A_9 : i32
    %mul3A_11 = arith.constant 640 : i32
    %mul3A_12 = arith.muli %arg1, %mul3A_11 : i32
    "tpu.region"() ({
      %run_scoped3A = tpu.sem_alloc : memref<!tpu.dma_semaphore, #tpu.memory_space<semaphore_mem>>
      %dma_start3A = arith.constant 0 : i32
      %dma_start3A_49 = tpu.memref_slice %arg8[%mul3A_12, %dma_start3A] : memref<10240x128xf32, #tpu.memory_space<vmem_shared>> -> memref<640x128xf32, #tpu.memory_space<vmem_shared>>
      %dma_start3A_50 = arith.constant 0 : i32
      %dma_start3A_51 = tpu.memref_slice %arg4[%mul3A_10, %dma_start3A_50] : memref<10240x128xf32, #tpu.memory_space<hbm>> -> memref<640x128xf32, #tpu.memory_space<hbm>>
      tpu.enqueue_dma source(%dma_start3A_51 : memref<640x128xf32, #tpu.memory_space<hbm>>) target(%dma_start3A_49 : memref<640x128xf32, #tpu.memory_space<vmem_shared>>) target_semaphore(%run_scoped3A : memref<!tpu.dma_semaphore, #tpu.memory_space<semaphore_mem>>)
      %dma_wait3A = arith.constant 0 : i32
      %dma_wait3A_52 = tpu.memref_slice %arg8[%mul3A_12, %dma_wait3A] : memref<10240x128xf32, #tpu.memory_space<vmem_shared>> -> memref<640x128xf32, #tpu.memory_space<vmem_shared>>
      %dma_wait3A_53 = arith.constant 0 : i32
      %dma_wait3A_54 = tpu.memref_slice %arg4[%mul3A_10, %dma_wait3A_53] : memref<10240x128xf32, #tpu.memory_space<hbm>> -> memref<640x128xf32, #tpu.memory_space<hbm>>
      tpu.wait_dma2 semaphore(%run_scoped3A : memref<!tpu.dma_semaphore, #tpu.memory_space<semaphore_mem>>) src(%dma_wait3A_54 : memref<640x128xf32, #tpu.memory_space<hbm>>) dst(%dma_wait3A_52 : memref<640x128xf32, #tpu.memory_space<vmem_shared>>)
      tpu.yield
    }) : () -> ()
    %gt3A = arith.constant 0 : i32
    %gt3A_13 = arith.cmpi sgt, %select_n3A, %gt3A : i32
    %convert_element_type3A = arith.extui %gt3A_13 : i1 to i32
    %cond3A = arith.constant 0 : i32
    %cond3A_14 = arith.cmpi ne, %convert_element_type3A, %cond3A : i32
    scf.if %cond3A_14 {
      %add3A_49 = arith.constant 0 : i32
      %add3A_50 = arith.addi %select_n3A_8, %add3A_49 : i32
      %dma_start3A = arith.constant 0 : i32
      %dma_start3A_51 = arith.constant 0 : i32
      %dma_start3A_52 = arith.constant 0 : i32
      %dma_start3A_53 = tpu.memref_slice %arg6[%dma_start3A, %dma_start3A_51, %dma_start3A_52] : memref<4x2x128xi32, #tpu.memory_space<vmem>> -> memref<1x2x128xi32, #tpu.memory_space<vmem>>
      %dma_start3A_54 = tpu.memref_squeeze %dma_start3A_53 : memref<1x2x128xi32, #tpu.memory_space<vmem>> -> memref<2x128xi32, #tpu.memory_space<vmem>>
      %dma_start3A_55 = arith.constant 0 : i32
      %dma_start3A_56 = arith.constant 0 : i32
      %dma_start3A_57 = tpu.memref_slice %arg3[%add3A_50, %dma_start3A_55, %dma_start3A_56] : memref<2560x2x128xi32, #tpu.memory_space<hbm>> -> memref<1x2x128xi32, #tpu.memory_space<hbm>>
      %dma_start3A_58 = tpu.memref_squeeze %dma_start3A_57 : memref<1x2x128xi32, #tpu.memory_space<hbm>> -> memref<2x128xi32, #tpu.memory_space<hbm>>
      %dma_start3A_59 = arith.constant 0 : i32
      %dma_start3A_60 = arith.constant 0 : i32
      %dma_start3A_61 = tpu.memref_slice %arg6[%dma_start3A, %dma_start3A_59, %dma_start3A_60] : memref<4x2x128xi32, #tpu.memory_space<vmem>> -> memref<1x2x128xi32, #tpu.memory_space<vmem>>
      %dma_start3A_62 = tpu.memref_squeeze %dma_start3A_61 : memref<1x2x128xi32, #tpu.memory_space<vmem>> -> memref<2x128xi32, #tpu.memory_space<vmem>>
      %dma_start3A_63 = arith.constant 0 : i32
      %dma_start3A_64 = arith.constant 0 : i32
      %dma_start3A_65 = tpu.memref_slice %arg3[%add3A_50, %dma_start3A_63, %dma_start3A_64] : memref<2560x2x128xi32, #tpu.memory_space<hbm>> -> memref<1x2x128xi32, #tpu.memory_space<hbm>>
      %dma_start3A_66 = tpu.memref_squeeze %dma_start3A_65 : memref<1x2x128xi32, #tpu.memory_space<hbm>> -> memref<2x128xi32, #tpu.memory_space<hbm>>
      tpu.enqueue_dma source(%dma_start3A_66 : memref<2x128xi32, #tpu.memory_space<hbm>>) target(%dma_start3A_62 : memref<2x128xi32, #tpu.memory_space<vmem>>) target_semaphore(%arg9 : memref<!tpu.dma_semaphore, #tpu.memory_space<semaphore_mem>>)
    } else {
    }
    %gt3A_15 = arith.constant 1 : i32
    %gt3A_16 = arith.cmpi sgt, %select_n3A, %gt3A_15 : i32
    %convert_element_type3A_17 = arith.extui %gt3A_16 : i1 to i32
    %cond3A_18 = arith.constant 0 : i32
    %cond3A_19 = arith.cmpi ne, %convert_element_type3A_17, %cond3A_18 : i32
    scf.if %cond3A_19 {
      %add3A_49 = arith.constant 1 : i32
      %add3A_50 = arith.addi %select_n3A_8, %add3A_49 : i32
      %dma_start3A = arith.constant 1 : i32
      %dma_start3A_51 = arith.constant 0 : i32
      %dma_start3A_52 = arith.constant 0 : i32
      %dma_start3A_53 = tpu.memref_slice %arg6[%dma_start3A, %dma_start3A_51, %dma_start3A_52] : memref<4x2x128xi32, #tpu.memory_space<vmem>> -> memref<1x2x128xi32, #tpu.memory_space<vmem>>
      %dma_start3A_54 = tpu.memref_squeeze %dma_start3A_53 : memref<1x2x128xi32, #tpu.memory_space<vmem>> -> memref<2x128xi32, #tpu.memory_space<vmem>>
      %dma_start3A_55 = arith.constant 0 : i32
      %dma_start3A_56 = arith.constant 0 : i32
      %dma_start3A_57 = tpu.memref_slice %arg3[%add3A_50, %dma_start3A_55, %dma_start3A_56] : memref<2560x2x128xi32, #tpu.memory_space<hbm>> -> memref<1x2x128xi32, #tpu.memory_space<hbm>>
      %dma_start3A_58 = tpu.memref_squeeze %dma_start3A_57 : memref<1x2x128xi32, #tpu.memory_space<hbm>> -> memref<2x128xi32, #tpu.memory_space<hbm>>
      %dma_start3A_59 = arith.constant 0 : i32
      %dma_start3A_60 = arith.constant 0 : i32
      %dma_start3A_61 = tpu.memref_slice %arg6[%dma_start3A, %dma_start3A_59, %dma_start3A_60] : memref<4x2x128xi32, #tpu.memory_space<vmem>> -> memref<1x2x128xi32, #tpu.memory_space<vmem>>
      %dma_start3A_62 = tpu.memref_squeeze %dma_start3A_61 : memref<1x2x128xi32, #tpu.memory_space<vmem>> -> memref<2x128xi32, #tpu.memory_space<vmem>>
      %dma_start3A_63 = arith.constant 0 : i32
      %dma_start3A_64 = arith.constant 0 : i32
      %dma_start3A_65 = tpu.memref_slice %arg3[%add3A_50, %dma_start3A_63, %dma_start3A_64] : memref<2560x2x128xi32, #tpu.memory_space<hbm>> -> memref<1x2x128xi32, #tpu.memory_space<hbm>>
      %dma_start3A_66 = tpu.memref_squeeze %dma_start3A_65 : memref<1x2x128xi32, #tpu.memory_space<hbm>> -> memref<2x128xi32, #tpu.memory_space<hbm>>
      tpu.enqueue_dma source(%dma_start3A_66 : memref<2x128xi32, #tpu.memory_space<hbm>>) target(%dma_start3A_62 : memref<2x128xi32, #tpu.memory_space<vmem>>) target_semaphore(%arg9 : memref<!tpu.dma_semaphore, #tpu.memory_space<semaphore_mem>>)
    } else {
    }
    %gt3A_20 = arith.constant 2 : i32
    %gt3A_21 = arith.cmpi sgt, %select_n3A, %gt3A_20 : i32
    %convert_element_type3A_22 = arith.extui %gt3A_21 : i1 to i32
    %cond3A_23 = arith.constant 0 : i32
    %cond3A_24 = arith.cmpi ne, %convert_element_type3A_22, %cond3A_23 : i32
    scf.if %cond3A_24 {
      %add3A_49 = arith.constant 2 : i32
      %add3A_50 = arith.addi %select_n3A_8, %add3A_49 : i32
      %dma_start3A = arith.constant 2 : i32
      %dma_start3A_51 = arith.constant 0 : i32
      %dma_start3A_52 = arith.constant 0 : i32
      %dma_start3A_53 = tpu.memref_slice %arg6[%dma_start3A, %dma_start3A_51, %dma_start3A_52] : memref<4x2x128xi32, #tpu.memory_space<vmem>> -> memref<1x2x128xi32, #tpu.memory_space<vmem>>
      %dma_start3A_54 = tpu.memref_squeeze %dma_start3A_53 : memref<1x2x128xi32, #tpu.memory_space<vmem>> -> memref<2x128xi32, #tpu.memory_space<vmem>>
      %dma_start3A_55 = arith.constant 0 : i32
      %dma_start3A_56 = arith.constant 0 : i32
      %dma_start3A_57 = tpu.memref_slice %arg3[%add3A_50, %dma_start3A_55, %dma_start3A_56] : memref<2560x2x128xi32, #tpu.memory_space<hbm>> -> memref<1x2x128xi32, #tpu.memory_space<hbm>>
      %dma_start3A_58 = tpu.memref_squeeze %dma_start3A_57 : memref<1x2x128xi32, #tpu.memory_space<hbm>> -> memref<2x128xi32, #tpu.memory_space<hbm>>
      %dma_start3A_59 = arith.constant 0 : i32
      %dma_start3A_60 = arith.constant 0 : i32
      %dma_start3A_61 = tpu.memref_slice %arg6[%dma_start3A, %dma_start3A_59, %dma_start3A_60] : memref<4x2x128xi32, #tpu.memory_space<vmem>> -> memref<1x2x128xi32, #tpu.memory_space<vmem>>
      %dma_start3A_62 = tpu.memref_squeeze %dma_start3A_61 : memref<1x2x128xi32, #tpu.memory_space<vmem>> -> memref<2x128xi32, #tpu.memory_space<vmem>>
      %dma_start3A_63 = arith.constant 0 : i32
      %dma_start3A_64 = arith.constant 0 : i32
      %dma_start3A_65 = tpu.memref_slice %arg3[%add3A_50, %dma_start3A_63, %dma_start3A_64] : memref<2560x2x128xi32, #tpu.memory_space<hbm>> -> memref<1x2x128xi32, #tpu.memory_space<hbm>>
      %dma_start3A_66 = tpu.memref_squeeze %dma_start3A_65 : memref<1x2x128xi32, #tpu.memory_space<hbm>> -> memref<2x128xi32, #tpu.memory_space<hbm>>
      tpu.enqueue_dma source(%dma_start3A_66 : memref<2x128xi32, #tpu.memory_space<hbm>>) target(%dma_start3A_62 : memref<2x128xi32, #tpu.memory_space<vmem>>) target_semaphore(%arg9 : memref<!tpu.dma_semaphore, #tpu.memory_space<semaphore_mem>>)
    } else {
    }
    %gt3A_25 = arith.constant 0 : i32
    %gt3A_26 = arith.cmpi sgt, %select_n3A, %gt3A_25 : i32
    %convert_element_type3A_27 = arith.extui %gt3A_26 : i1 to i32
    %cond3A_28 = arith.constant 0 : i32
    %cond3A_29 = arith.cmpi ne, %convert_element_type3A_27, %cond3A_28 : i32
    scf.if %cond3A_29 {
      %dma_wait3A = arith.constant 0 : i32
      %dma_wait3A_49 = arith.constant 0 : i32
      %dma_wait3A_50 = arith.constant 0 : i32
      %dma_wait3A_51 = tpu.memref_slice %arg6[%dma_wait3A, %dma_wait3A_49, %dma_wait3A_50] : memref<4x2x128xi32, #tpu.memory_space<vmem>> -> memref<1x2x128xi32, #tpu.memory_space<vmem>>
      %dma_wait3A_52 = tpu.memref_squeeze %dma_wait3A_51 : memref<1x2x128xi32, #tpu.memory_space<vmem>> -> memref<2x128xi32, #tpu.memory_space<vmem>>
      %dma_wait3A_53 = arith.constant 0 : i32
      %dma_wait3A_54 = arith.constant 0 : i32
      %dma_wait3A_55 = tpu.memref_slice %arg3[%select_n3A_8, %dma_wait3A_53, %dma_wait3A_54] : memref<2560x2x128xi32, #tpu.memory_space<hbm>> -> memref<1x2x128xi32, #tpu.memory_space<hbm>>
      %dma_wait3A_56 = tpu.memref_squeeze %dma_wait3A_55 : memref<1x2x128xi32, #tpu.memory_space<hbm>> -> memref<2x128xi32, #tpu.memory_space<hbm>>
      %dma_wait3A_57 = arith.constant 0 : i32
      %dma_wait3A_58 = arith.constant 0 : i32
      %dma_wait3A_59 = tpu.memref_slice %arg6[%dma_wait3A, %dma_wait3A_57, %dma_wait3A_58] : memref<4x2x128xi32, #tpu.memory_space<vmem>> -> memref<1x2x128xi32, #tpu.memory_space<vmem>>
      %dma_wait3A_60 = tpu.memref_squeeze %dma_wait3A_59 : memref<1x2x128xi32, #tpu.memory_space<vmem>> -> memref<2x128xi32, #tpu.memory_space<vmem>>
      %dma_wait3A_61 = arith.constant 0 : i32
      %dma_wait3A_62 = arith.constant 0 : i32
      %dma_wait3A_63 = tpu.memref_slice %arg3[%select_n3A_8, %dma_wait3A_61, %dma_wait3A_62] : memref<2560x2x128xi32, #tpu.memory_space<hbm>> -> memref<1x2x128xi32, #tpu.memory_space<hbm>>
      %dma_wait3A_64 = tpu.memref_squeeze %dma_wait3A_63 : memref<1x2x128xi32, #tpu.memory_space<hbm>> -> memref<2x128xi32, #tpu.memory_space<hbm>>
      tpu.wait_dma2 semaphore(%arg9 : memref<!tpu.dma_semaphore, #tpu.memory_space<semaphore_mem>>) src(%dma_wait3A_64 : memref<2x128xi32, #tpu.memory_space<hbm>>) dst(%dma_wait3A_60 : memref<2x128xi32, #tpu.memory_space<vmem>>)
      %dma_start3A = arith.constant 0 : i32
      %dma_start3A_65 = arith.constant 0 : i32
      %dma_start3A_66 = arith.constant 0 : i32
      %dma_start3A_67 = arith.constant 0 : i32
      %dma_start3A_68 = arith.constant 0 : i32
      %dma_start3A_69 = tpu.memref_slice %arg7[%dma_start3A_66, %dma_start3A_67, %dma_start3A_68] : memref<2x128x128xf32, #tpu.memory_space<vmem>> -> memref<1x128x128xf32, #tpu.memory_space<vmem>>
      %dma_start3A_70 = tpu.memref_squeeze %dma_start3A_69 : memref<1x128x128xf32, #tpu.memory_space<vmem>> -> memref<128x128xf32, #tpu.memory_space<vmem>>
      %dma_start3A_71 = arith.constant 0 : i32
      %dma_start3A_72 = tpu.memref_slice %arg6[%dma_start3A, %dma_start3A_65, %dma_start3A_71] : memref<4x2x128xi32, #tpu.memory_space<vmem>> -> memref<1x1x128xi32, #tpu.memory_space<vmem>>
      %dma_start3A_73 = tpu.memref_squeeze %dma_start3A_72 : memref<1x1x128xi32, #tpu.memory_space<vmem>> -> memref<128xi32, #tpu.memory_space<vmem>>
      %dma_start3A_74 = arith.constant 0 : i32
      %dma_start3A_75 = arith.constant 0 : i32
      %dma_start3A_76 = tpu.memref_slice %arg2[%dma_start3A_74, %dma_start3A_75] : memref<10000x128xf32, #tpu.memory_space<hbm>> -> memref<10000x128xf32, #tpu.memory_space<hbm>>
      tpu.enqueue_indirect_dma source(%dma_start3A_76 : memref<10000x128xf32, #tpu.memory_space<hbm>>) target(%dma_start3A_70 : memref<128x128xf32, #tpu.memory_space<vmem>>) offsets(%dma_start3A_73 : memref<128xi32, #tpu.memory_space<vmem>>) semaphore(%arg10 : memref<!tpu.dma_semaphore, #tpu.memory_space<semaphore_mem>>)
    } else {
    }
    %gt3A_30 = arith.constant 1 : i32
    %gt3A_31 = arith.cmpi sgt, %select_n3A, %gt3A_30 : i32
    %convert_element_type3A_32 = arith.extui %gt3A_31 : i1 to i32
    %cond3A_33 = arith.constant 0 : i32
    %cond3A_34 = arith.cmpi ne, %convert_element_type3A_32, %cond3A_33 : i32
    scf.if %cond3A_34 {
      %dma_wait3A = arith.constant 1 : i32
      %dma_wait3A_49 = arith.constant 0 : i32
      %dma_wait3A_50 = arith.constant 0 : i32
      %dma_wait3A_51 = tpu.memref_slice %arg6[%dma_wait3A, %dma_wait3A_49, %dma_wait3A_50] : memref<4x2x128xi32, #tpu.memory_space<vmem>> -> memref<1x2x128xi32, #tpu.memory_space<vmem>>
      %dma_wait3A_52 = tpu.memref_squeeze %dma_wait3A_51 : memref<1x2x128xi32, #tpu.memory_space<vmem>> -> memref<2x128xi32, #tpu.memory_space<vmem>>
      %dma_wait3A_53 = arith.constant 0 : i32
      %dma_wait3A_54 = arith.constant 0 : i32
      %dma_wait3A_55 = tpu.memref_slice %arg3[%select_n3A_8, %dma_wait3A_53, %dma_wait3A_54] : memref<2560x2x128xi32, #tpu.memory_space<hbm>> -> memref<1x2x128xi32, #tpu.memory_space<hbm>>
      %dma_wait3A_56 = tpu.memref_squeeze %dma_wait3A_55 : memref<1x2x128xi32, #tpu.memory_space<hbm>> -> memref<2x128xi32, #tpu.memory_space<hbm>>
      %dma_wait3A_57 = arith.constant 0 : i32
      %dma_wait3A_58 = arith.constant 0 : i32
      %dma_wait3A_59 = tpu.memref_slice %arg6[%dma_wait3A, %dma_wait3A_57, %dma_wait3A_58] : memref<4x2x128xi32, #tpu.memory_space<vmem>> -> memref<1x2x128xi32, #tpu.memory_space<vmem>>
      %dma_wait3A_60 = tpu.memref_squeeze %dma_wait3A_59 : memref<1x2x128xi32, #tpu.memory_space<vmem>> -> memref<2x128xi32, #tpu.memory_space<vmem>>
      %dma_wait3A_61 = arith.constant 0 : i32
      %dma_wait3A_62 = arith.constant 0 : i32
      %dma_wait3A_63 = tpu.memref_slice %arg3[%select_n3A_8, %dma_wait3A_61, %dma_wait3A_62] : memref<2560x2x128xi32, #tpu.memory_space<hbm>> -> memref<1x2x128xi32, #tpu.memory_space<hbm>>
      %dma_wait3A_64 = tpu.memref_squeeze %dma_wait3A_63 : memref<1x2x128xi32, #tpu.memory_space<hbm>> -> memref<2x128xi32, #tpu.memory_space<hbm>>
      tpu.wait_dma2 semaphore(%arg9 : memref<!tpu.dma_semaphore, #tpu.memory_space<semaphore_mem>>) src(%dma_wait3A_64 : memref<2x128xi32, #tpu.memory_space<hbm>>) dst(%dma_wait3A_60 : memref<2x128xi32, #tpu.memory_space<vmem>>)
      %dma_start3A = arith.constant 1 : i32
      %dma_start3A_65 = arith.constant 0 : i32
      %dma_start3A_66 = arith.constant 1 : i32
      %dma_start3A_67 = arith.constant 0 : i32
      %dma_start3A_68 = arith.constant 0 : i32
      %dma_start3A_69 = tpu.memref_slice %arg7[%dma_start3A_66, %dma_start3A_67, %dma_start3A_68] : memref<2x128x128xf32, #tpu.memory_space<vmem>> -> memref<1x128x128xf32, #tpu.memory_space<vmem>>
      %dma_start3A_70 = tpu.memref_squeeze %dma_start3A_69 : memref<1x128x128xf32, #tpu.memory_space<vmem>> -> memref<128x128xf32, #tpu.memory_space<vmem>>
      %dma_start3A_71 = arith.constant 0 : i32
      %dma_start3A_72 = tpu.memref_slice %arg6[%dma_start3A, %dma_start3A_65, %dma_start3A_71] : memref<4x2x128xi32, #tpu.memory_space<vmem>> -> memref<1x1x128xi32, #tpu.memory_space<vmem>>
      %dma_start3A_73 = tpu.memref_squeeze %dma_start3A_72 : memref<1x1x128xi32, #tpu.memory_space<vmem>> -> memref<128xi32, #tpu.memory_space<vmem>>
      %dma_start3A_74 = arith.constant 0 : i32
      %dma_start3A_75 = arith.constant 0 : i32
      %dma_start3A_76 = tpu.memref_slice %arg2[%dma_start3A_74, %dma_start3A_75] : memref<10000x128xf32, #tpu.memory_space<hbm>> -> memref<10000x128xf32, #tpu.memory_space<hbm>>
      tpu.enqueue_indirect_dma source(%dma_start3A_76 : memref<10000x128xf32, #tpu.memory_space<hbm>>) target(%dma_start3A_70 : memref<128x128xf32, #tpu.memory_space<vmem>>) offsets(%dma_start3A_73 : memref<128xi32, #tpu.memory_space<vmem>>) semaphore(%arg10 : memref<!tpu.dma_semaphore, #tpu.memory_space<semaphore_mem>>)
    } else {
    }
    %barrier3A = arith.constant 0 : index
    tpu.barrier barrier_id(%barrier3A)
    %while3A = arith.constant 0 : i32
    %while3A_35 = arith.constant 0 : i32
    %while3A_36 = arith.subi %select_n3A, %while3A_35 : i32
    %while3A_37 = arith.addi %while3A_35, %while3A_36 : i32
    %while3A_38 = arith.constant 1 : i32
    %while3A_39 = arith.divsi %while3A_36, %while3A_38 : i32
    %while3A_40 = arith.muli %while3A_39, %while3A_38 : i32
    %while3A_41 = arith.addi %while3A_35, %while3A_40 : i32
    %while3A_42 = arith.constant 1 : i32
    scf.for %while3A_49 = %while3A_35 to %while3A_41 step %while3A_42  : i32 {
      %rem3A = arith.constant 2 : i32
      %rem3A_50 = arith.remsi %while3A_49, %rem3A : i32
      %rem3A_51 = arith.constant 4 : i32
      %rem3A_52 = arith.remsi %while3A_49, %rem3A_51 : i32
      %dma_wait3A = arith.constant 0 : i32
      %dma_wait3A_53 = arith.constant 0 : i32
      %dma_wait3A_54 = tpu.memref_slice %arg7[%rem3A_50, %dma_wait3A, %dma_wait3A_53] : memref<2x128x128xf32, #tpu.memory_space<vmem>> -> memref<1x128x128xf32, #tpu.memory_space<vmem>>
      %dma_wait3A_55 = tpu.memref_squeeze %dma_wait3A_54 : memref<1x128x128xf32, #tpu.memory_space<vmem>> -> memref<128x128xf32, #tpu.memory_space<vmem>>
      %dma_wait3A_56 = arith.constant 0 : i32
      %dma_wait3A_57 = arith.constant 0 : i32
      %dma_wait3A_58 = tpu.memref_slice %arg2[%dma_wait3A_56, %dma_wait3A_57] : memref<10000x128xf32, #tpu.memory_space<hbm>> -> memref<128x128xf32, #tpu.memory_space<hbm>>
      %dma_wait3A_59 = arith.constant 0 : i32
      %dma_wait3A_60 = arith.constant 0 : i32
      %dma_wait3A_61 = tpu.memref_slice %arg7[%rem3A_50, %dma_wait3A_59, %dma_wait3A_60] : memref<2x128x128xf32, #tpu.memory_space<vmem>> -> memref<1x128x128xf32, #tpu.memory_space<vmem>>
      %dma_wait3A_62 = tpu.memref_squeeze %dma_wait3A_61 : memref<1x128x128xf32, #tpu.memory_space<vmem>> -> memref<128x128xf32, #tpu.memory_space<vmem>>
      %dma_wait3A_63 = arith.constant 0 : i32
      %dma_wait3A_64 = arith.constant 0 : i32
      %dma_wait3A_65 = tpu.memref_slice %arg2[%dma_wait3A_63, %dma_wait3A_64] : memref<10000x128xf32, #tpu.memory_space<hbm>> -> memref<128x128xf32, #tpu.memory_space<hbm>>
      tpu.wait_dma2 semaphore(%arg10 : memref<!tpu.dma_semaphore, #tpu.memory_space<semaphore_mem>>) src(%dma_wait3A_65 : memref<128x128xf32, #tpu.memory_space<hbm>>) dst(%dma_wait3A_62 : memref<128x128xf32, #tpu.memory_space<vmem>>)
      %run_scoped3A = arith.constant 1 : i32
      "tpu.region"() ({
        %run_scoped3A_77 = tpu.sem_alloc : memref<!tpu.dma_semaphore, #tpu.memory_space<semaphore_mem>>
        %dma_start3A = arith.constant 0 : i32
        %dma_start3A_78 = arith.constant 0 : i32
        %dma_start3A_79 = tpu.memref_slice %arg7[%rem3A_50, %dma_start3A, %dma_start3A_78] : memref<2x128x128xf32, #tpu.memory_space<vmem>> -> memref<1x128x128xf32, #tpu.memory_space<vmem>>
        %dma_start3A_80 = tpu.memref_squeeze %dma_start3A_79 : memref<1x128x128xf32, #tpu.memory_space<vmem>> -> memref<128x128xf32, #tpu.memory_space<vmem>>
        %dma_start3A_81 = arith.constant 0 : i32
        %dma_start3A_82 = tpu.memref_slice %arg6[%rem3A_52, %run_scoped3A, %dma_start3A_81] : memref<4x2x128xi32, #tpu.memory_space<vmem>> -> memref<1x1x128xi32, #tpu.memory_space<vmem>>
        %dma_start3A_83 = tpu.memref_squeeze %dma_start3A_82 : memref<1x1x128xi32, #tpu.memory_space<vmem>> -> memref<128xi32, #tpu.memory_space<vmem>>
        %dma_start3A_84 = arith.constant 0 : i32
        %dma_start3A_85 = arith.constant 0 : i32
        %dma_start3A_86 = tpu.memref_slice %arg8[%dma_start3A_84, %dma_start3A_85] : memref<10240x128xf32, #tpu.memory_space<vmem_shared>> -> memref<10240x128xf32, #tpu.memory_space<vmem_shared>>
        tpu.enqueue_indirect_dma source(%dma_start3A_80 : memref<128x128xf32, #tpu.memory_space<vmem>>) target(%dma_start3A_86 : memref<10240x128xf32, #tpu.memory_space<vmem_shared>>) offsets(%dma_start3A_83 : memref<128xi32, #tpu.memory_space<vmem>>) semaphore(%run_scoped3A_77 : memref<!tpu.dma_semaphore, #tpu.memory_space<semaphore_mem>>) {add = true}
        %dma_wait3A_87 = arith.constant 0 : i32
        %dma_wait3A_88 = arith.constant 0 : i32
        %dma_wait3A_89 = tpu.memref_slice %arg7[%rem3A_50, %dma_wait3A_87, %dma_wait3A_88] : memref<2x128x128xf32, #tpu.memory_space<vmem>> -> memref<1x128x128xf32, #tpu.memory_space<vmem>>
        %dma_wait3A_90 = tpu.memref_squeeze %dma_wait3A_89 : memref<1x128x128xf32, #tpu.memory_space<vmem>> -> memref<128x128xf32, #tpu.memory_space<vmem>>
        %dma_wait3A_91 = arith.constant 0 : i32
        %dma_wait3A_92 = tpu.memref_slice %arg6[%rem3A_52, %run_scoped3A, %dma_wait3A_91] : memref<4x2x128xi32, #tpu.memory_space<vmem>> -> memref<1x1x128xi32, #tpu.memory_space<vmem>>
        %dma_wait3A_93 = tpu.memref_squeeze %dma_wait3A_92 : memref<1x1x128xi32, #tpu.memory_space<vmem>> -> memref<128xi32, #tpu.memory_space<vmem>>
        %dma_wait3A_94 = arith.constant 0 : i32
        %dma_wait3A_95 = arith.constant 0 : i32
        %dma_wait3A_96 = tpu.memref_slice %arg8[%dma_wait3A_94, %dma_wait3A_95] : memref<10240x128xf32, #tpu.memory_space<vmem_shared>> -> memref<10240x128xf32, #tpu.memory_space<vmem_shared>>
        tpu.wait_indirect_dma semaphore(%run_scoped3A_77 : memref<!tpu.dma_semaphore, #tpu.memory_space<semaphore_mem>>) src(%dma_wait3A_90 : memref<128x128xf32, #tpu.memory_space<vmem>>) dst(%dma_wait3A_96 : memref<10240x128xf32, #tpu.memory_space<vmem_shared>>)
        tpu.yield
      }) : () -> ()
      %add3A_66 = arith.constant 3 : i32
      %add3A_67 = arith.addi %while3A_49, %add3A_66 : i32
      %lt3A = arith.cmpi slt, %add3A_67, %select_n3A : i32
      %convert_element_type3A_68 = arith.extui %lt3A : i1 to i32
      %cond3A_69 = arith.constant 0 : i32
      %cond3A_70 = arith.cmpi ne, %convert_element_type3A_68, %cond3A_69 : i32
      scf.if %cond3A_70 {
        %add3A_77 = arith.addi %select_n3A_8, %while3A_49 : i32
        %add3A_78 = arith.constant 3 : i32
        %add3A_79 = arith.addi %add3A_77, %add3A_78 : i32
        %add3A_80 = arith.constant 3 : i32
        %add3A_81 = arith.addi %while3A_49, %add3A_80 : i32
        %rem3A_82 = arith.constant 4 : i32
        %rem3A_83 = arith.remsi %add3A_81, %rem3A_82 : i32
        %dma_start3A = arith.constant 0 : i32
        %dma_start3A_84 = arith.constant 0 : i32
        %dma_start3A_85 = tpu.memref_slice %arg6[%rem3A_83, %dma_start3A, %dma_start3A_84] : memref<4x2x128xi32, #tpu.memory_space<vmem>> -> memref<1x2x128xi32, #tpu.memory_space<vmem>>
        %dma_start3A_86 = tpu.memref_squeeze %dma_start3A_85 : memref<1x2x128xi32, #tpu.memory_space<vmem>> -> memref<2x128xi32, #tpu.memory_space<vmem>>
        %dma_start3A_87 = arith.constant 0 : i32
        %dma_start3A_88 = arith.constant 0 : i32
        %dma_start3A_89 = tpu.memref_slice %arg3[%add3A_79, %dma_start3A_87, %dma_start3A_88] : memref<2560x2x128xi32, #tpu.memory_space<hbm>> -> memref<1x2x128xi32, #tpu.memory_space<hbm>>
        %dma_start3A_90 = tpu.memref_squeeze %dma_start3A_89 : memref<1x2x128xi32, #tpu.memory_space<hbm>> -> memref<2x128xi32, #tpu.memory_space<hbm>>
        %dma_start3A_91 = arith.constant 0 : i32
        %dma_start3A_92 = arith.constant 0 : i32
        %dma_start3A_93 = tpu.memref_slice %arg6[%rem3A_83, %dma_start3A_91, %dma_start3A_92] : memref<4x2x128xi32, #tpu.memory_space<vmem>> -> memref<1x2x128xi32, #tpu.memory_space<vmem>>
        %dma_start3A_94 = tpu.memref_squeeze %dma_start3A_93 : memref<1x2x128xi32, #tpu.memory_space<vmem>> -> memref<2x128xi32, #tpu.memory_space<vmem>>
        %dma_start3A_95 = arith.constant 0 : i32
        %dma_start3A_96 = arith.constant 0 : i32
        %dma_start3A_97 = tpu.memref_slice %arg3[%add3A_79, %dma_start3A_95, %dma_start3A_96] : memref<2560x2x128xi32, #tpu.memory_space<hbm>> -> memref<1x2x128xi32, #tpu.memory_space<hbm>>
        %dma_start3A_98 = tpu.memref_squeeze %dma_start3A_97 : memref<1x2x128xi32, #tpu.memory_space<hbm>> -> memref<2x128xi32, #tpu.memory_space<hbm>>
        tpu.enqueue_dma source(%dma_start3A_98 : memref<2x128xi32, #tpu.memory_space<hbm>>) target(%dma_start3A_94 : memref<2x128xi32, #tpu.memory_space<vmem>>) target_semaphore(%arg9 : memref<!tpu.dma_semaphore, #tpu.memory_space<semaphore_mem>>)
      } else {
      }
      %add3A_71 = arith.constant 2 : i32
      %add3A_72 = arith.addi %while3A_49, %add3A_71 : i32
      %lt3A_73 = arith.cmpi slt, %add3A_72, %select_n3A : i32
      %convert_element_type3A_74 = arith.extui %lt3A_73 : i1 to i32
      %cond3A_75 = arith.constant 0 : i32
      %cond3A_76 = arith.cmpi ne, %convert_element_type3A_74, %cond3A_75 : i32
      scf.if %cond3A_76 {
        %add3A_77 = arith.constant 2 : i32
        %add3A_78 = arith.addi %while3A_49, %add3A_77 : i32
        %rem3A_79 = arith.constant 4 : i32
        %rem3A_80 = arith.remsi %add3A_78, %rem3A_79 : i32
        %dma_wait3A_81 = arith.constant 0 : i32
        %dma_wait3A_82 = arith.constant 0 : i32
        %dma_wait3A_83 = tpu.memref_slice %arg6[%rem3A_80, %dma_wait3A_81, %dma_wait3A_82] : memref<4x2x128xi32, #tpu.memory_space<vmem>> -> memref<1x2x128xi32, #tpu.memory_space<vmem>>
        %dma_wait3A_84 = tpu.memref_squeeze %dma_wait3A_83 : memref<1x2x128xi32, #tpu.memory_space<vmem>> -> memref<2x128xi32, #tpu.memory_space<vmem>>
        %dma_wait3A_85 = arith.constant 0 : i32
        %dma_wait3A_86 = arith.constant 0 : i32
        %dma_wait3A_87 = tpu.memref_slice %arg3[%select_n3A_8, %dma_wait3A_85, %dma_wait3A_86] : memref<2560x2x128xi32, #tpu.memory_space<hbm>> -> memref<1x2x128xi32, #tpu.memory_space<hbm>>
        %dma_wait3A_88 = tpu.memref_squeeze %dma_wait3A_87 : memref<1x2x128xi32, #tpu.memory_space<hbm>> -> memref<2x128xi32, #tpu.memory_space<hbm>>
        %dma_wait3A_89 = arith.constant 0 : i32
        %dma_wait3A_90 = arith.constant 0 : i32
        %dma_wait3A_91 = tpu.memref_slice %arg6[%rem3A_80, %dma_wait3A_89, %dma_wait3A_90] : memref<4x2x128xi32, #tpu.memory_space<vmem>> -> memref<1x2x128xi32, #tpu.memory_space<vmem>>
        %dma_wait3A_92 = tpu.memref_squeeze %dma_wait3A_91 : memref<1x2x128xi32, #tpu.memory_space<vmem>> -> memref<2x128xi32, #tpu.memory_space<vmem>>
        %dma_wait3A_93 = arith.constant 0 : i32
        %dma_wait3A_94 = arith.constant 0 : i32
        %dma_wait3A_95 = tpu.memref_slice %arg3[%select_n3A_8, %dma_wait3A_93, %dma_wait3A_94] : memref<2560x2x128xi32, #tpu.memory_space<hbm>> -> memref<1x2x128xi32, #tpu.memory_space<hbm>>
        %dma_wait3A_96 = tpu.memref_squeeze %dma_wait3A_95 : memref<1x2x128xi32, #tpu.memory_space<hbm>> -> memref<2x128xi32, #tpu.memory_space<hbm>>
        tpu.wait_dma2 semaphore(%arg9 : memref<!tpu.dma_semaphore, #tpu.memory_space<semaphore_mem>>) src(%dma_wait3A_96 : memref<2x128xi32, #tpu.memory_space<hbm>>) dst(%dma_wait3A_92 : memref<2x128xi32, #tpu.memory_space<vmem>>)
        %dma_start3A = arith.constant 0 : i32
        %dma_start3A_97 = arith.constant 0 : i32
        %dma_start3A_98 = arith.constant 0 : i32
        %dma_start3A_99 = tpu.memref_slice %arg7[%rem3A_50, %dma_start3A_97, %dma_start3A_98] : memref<2x128x128xf32, #tpu.memory_space<vmem>> -> memref<1x128x128xf32, #tpu.memory_space<vmem>>
        %dma_start3A_100 = tpu.memref_squeeze %dma_start3A_99 : memref<1x128x128xf32, #tpu.memory_space<vmem>> -> memref<128x128xf32, #tpu.memory_space<vmem>>
        %dma_start3A_101 = arith.constant 0 : i32
        %dma_start3A_102 = tpu.memref_slice %arg6[%rem3A_80, %dma_start3A, %dma_start3A_101] : memref<4x2x128xi32, #tpu.memory_space<vmem>> -> memref<1x1x128xi32, #tpu.memory_space<vmem>>
        %dma_start3A_103 = tpu.memref_squeeze %dma_start3A_102 : memref<1x1x128xi32, #tpu.memory_space<vmem>> -> memref<128xi32, #tpu.memory_space<vmem>>
        %dma_start3A_104 = arith.constant 0 : i32
        %dma_start3A_105 = arith.constant 0 : i32
        %dma_start3A_106 = tpu.memref_slice %arg2[%dma_start3A_104, %dma_start3A_105] : memref<10000x128xf32, #tpu.memory_space<hbm>> -> memref<10000x128xf32, #tpu.memory_space<hbm>>
        tpu.enqueue_indirect_dma source(%dma_start3A_106 : memref<10000x128xf32, #tpu.memory_space<hbm>>) target(%dma_start3A_100 : memref<128x128xf32, #tpu.memory_space<vmem>>) offsets(%dma_start3A_103 : memref<128xi32, #tpu.memory_space<vmem>>) semaphore(%arg10 : memref<!tpu.dma_semaphore, #tpu.memory_space<semaphore_mem>>)
      } else {
      }
    }
    %while3A_43 = arith.constant 1 : i32
    scf.for %while3A_49 = %while3A_41 to %while3A_37 step %while3A_43  : i32 {
      %rem3A = arith.constant 2 : i32
      %rem3A_50 = arith.remsi %while3A_49, %rem3A : i32
      %rem3A_51 = arith.constant 4 : i32
      %rem3A_52 = arith.remsi %while3A_49, %rem3A_51 : i32
      %dma_wait3A = arith.constant 0 : i32
      %dma_wait3A_53 = arith.constant 0 : i32
      %dma_wait3A_54 = tpu.memref_slice %arg7[%rem3A_50, %dma_wait3A, %dma_wait3A_53] : memref<2x128x128xf32, #tpu.memory_space<vmem>> -> memref<1x128x128xf32, #tpu.memory_space<vmem>>
      %dma_wait3A_55 = tpu.memref_squeeze %dma_wait3A_54 : memref<1x128x128xf32, #tpu.memory_space<vmem>> -> memref<128x128xf32, #tpu.memory_space<vmem>>
      %dma_wait3A_56 = arith.constant 0 : i32
      %dma_wait3A_57 = arith.constant 0 : i32
      %dma_wait3A_58 = tpu.memref_slice %arg2[%dma_wait3A_56, %dma_wait3A_57] : memref<10000x128xf32, #tpu.memory_space<hbm>> -> memref<128x128xf32, #tpu.memory_space<hbm>>
      %dma_wait3A_59 = arith.constant 0 : i32
      %dma_wait3A_60 = arith.constant 0 : i32
      %dma_wait3A_61 = tpu.memref_slice %arg7[%rem3A_50, %dma_wait3A_59, %dma_wait3A_60] : memref<2x128x128xf32, #tpu.memory_space<vmem>> -> memref<1x128x128xf32, #tpu.memory_space<vmem>>
      %dma_wait3A_62 = tpu.memref_squeeze %dma_wait3A_61 : memref<1x128x128xf32, #tpu.memory_space<vmem>> -> memref<128x128xf32, #tpu.memory_space<vmem>>
      %dma_wait3A_63 = arith.constant 0 : i32
      %dma_wait3A_64 = arith.constant 0 : i32
      %dma_wait3A_65 = tpu.memref_slice %arg2[%dma_wait3A_63, %dma_wait3A_64] : memref<10000x128xf32, #tpu.memory_space<hbm>> -> memref<128x128xf32, #tpu.memory_space<hbm>>
      tpu.wait_dma2 semaphore(%arg10 : memref<!tpu.dma_semaphore, #tpu.memory_space<semaphore_mem>>) src(%dma_wait3A_65 : memref<128x128xf32, #tpu.memory_space<hbm>>) dst(%dma_wait3A_62 : memref<128x128xf32, #tpu.memory_space<vmem>>)
      %run_scoped3A = arith.constant 1 : i32
      "tpu.region"() ({
        %run_scoped3A_77 = tpu.sem_alloc : memref<!tpu.dma_semaphore, #tpu.memory_space<semaphore_mem>>
        %dma_start3A = arith.constant 0 : i32
        %dma_start3A_78 = arith.constant 0 : i32
        %dma_start3A_79 = tpu.memref_slice %arg7[%rem3A_50, %dma_start3A, %dma_start3A_78] : memref<2x128x128xf32, #tpu.memory_space<vmem>> -> memref<1x128x128xf32, #tpu.memory_space<vmem>>
        %dma_start3A_80 = tpu.memref_squeeze %dma_start3A_79 : memref<1x128x128xf32, #tpu.memory_space<vmem>> -> memref<128x128xf32, #tpu.memory_space<vmem>>
        %dma_start3A_81 = arith.constant 0 : i32
        %dma_start3A_82 = tpu.memref_slice %arg6[%rem3A_52, %run_scoped3A, %dma_start3A_81] : memref<4x2x128xi32, #tpu.memory_space<vmem>> -> memref<1x1x128xi32, #tpu.memory_space<vmem>>
        %dma_start3A_83 = tpu.memref_squeeze %dma_start3A_82 : memref<1x1x128xi32, #tpu.memory_space<vmem>> -> memref<128xi32, #tpu.memory_space<vmem>>
        %dma_start3A_84 = arith.constant 0 : i32
        %dma_start3A_85 = arith.constant 0 : i32
        %dma_start3A_86 = tpu.memref_slice %arg8[%dma_start3A_84, %dma_start3A_85] : memref<10240x128xf32, #tpu.memory_space<vmem_shared>> -> memref<10240x128xf32, #tpu.memory_space<vmem_shared>>
        tpu.enqueue_indirect_dma source(%dma_start3A_80 : memref<128x128xf32, #tpu.memory_space<vmem>>) target(%dma_start3A_86 : memref<10240x128xf32, #tpu.memory_space<vmem_shared>>) offsets(%dma_start3A_83 : memref<128xi32, #tpu.memory_space<vmem>>) semaphore(%run_scoped3A_77 : memref<!tpu.dma_semaphore, #tpu.memory_space<semaphore_mem>>) {add = true}
        %dma_wait3A_87 = arith.constant 0 : i32
        %dma_wait3A_88 = arith.constant 0 : i32
        %dma_wait3A_89 = tpu.memref_slice %arg7[%rem3A_50, %dma_wait3A_87, %dma_wait3A_88] : memref<2x128x128xf32, #tpu.memory_space<vmem>> -> memref<1x128x128xf32, #tpu.memory_space<vmem>>
        %dma_wait3A_90 = tpu.memref_squeeze %dma_wait3A_89 : memref<1x128x128xf32, #tpu.memory_space<vmem>> -> memref<128x128xf32, #tpu.memory_space<vmem>>
        %dma_wait3A_91 = arith.constant 0 : i32
        %dma_wait3A_92 = tpu.memref_slice %arg6[%rem3A_52, %run_scoped3A, %dma_wait3A_91] : memref<4x2x128xi32, #tpu.memory_space<vmem>> -> memref<1x1x128xi32, #tpu.memory_space<vmem>>
        %dma_wait3A_93 = tpu.memref_squeeze %dma_wait3A_92 : memref<1x1x128xi32, #tpu.memory_space<vmem>> -> memref<128xi32, #tpu.memory_space<vmem>>
        %dma_wait3A_94 = arith.constant 0 : i32
        %dma_wait3A_95 = arith.constant 0 : i32
        %dma_wait3A_96 = tpu.memref_slice %arg8[%dma_wait3A_94, %dma_wait3A_95] : memref<10240x128xf32, #tpu.memory_space<vmem_shared>> -> memref<10240x128xf32, #tpu.memory_space<vmem_shared>>
        tpu.wait_indirect_dma semaphore(%run_scoped3A_77 : memref<!tpu.dma_semaphore, #tpu.memory_space<semaphore_mem>>) src(%dma_wait3A_90 : memref<128x128xf32, #tpu.memory_space<vmem>>) dst(%dma_wait3A_96 : memref<10240x128xf32, #tpu.memory_space<vmem_shared>>)
        tpu.yield
      }) : () -> ()
      %add3A_66 = arith.constant 3 : i32
      %add3A_67 = arith.addi %while3A_49, %add3A_66 : i32
      %lt3A = arith.cmpi slt, %add3A_67, %select_n3A : i32
      %convert_element_type3A_68 = arith.extui %lt3A : i1 to i32
      %cond3A_69 = arith.constant 0 : i32
      %cond3A_70 = arith.cmpi ne, %convert_element_type3A_68, %cond3A_69 : i32
      scf.if %cond3A_70 {
        %add3A_77 = arith.addi %select_n3A_8, %while3A_49 : i32
        %add3A_78 = arith.constant 3 : i32
        %add3A_79 = arith.addi %add3A_77, %add3A_78 : i32
        %add3A_80 = arith.constant 3 : i32
        %add3A_81 = arith.addi %while3A_49, %add3A_80 : i32
        %rem3A_82 = arith.constant 4 : i32
        %rem3A_83 = arith.remsi %add3A_81, %rem3A_82 : i32
        %dma_start3A = arith.constant 0 : i32
        %dma_start3A_84 = arith.constant 0 : i32
        %dma_start3A_85 = tpu.memref_slice %arg6[%rem3A_83, %dma_start3A, %dma_start3A_84] : memref<4x2x128xi32, #tpu.memory_space<vmem>> -> memref<1x2x128xi32, #tpu.memory_space<vmem>>
        %dma_start3A_86 = tpu.memref_squeeze %dma_start3A_85 : memref<1x2x128xi32, #tpu.memory_space<vmem>> -> memref<2x128xi32, #tpu.memory_space<vmem>>
        %dma_start3A_87 = arith.constant 0 : i32
        %dma_start3A_88 = arith.constant 0 : i32
        %dma_start3A_89 = tpu.memref_slice %arg3[%add3A_79, %dma_start3A_87, %dma_start3A_88] : memref<2560x2x128xi32, #tpu.memory_space<hbm>> -> memref<1x2x128xi32, #tpu.memory_space<hbm>>
        %dma_start3A_90 = tpu.memref_squeeze %dma_start3A_89 : memref<1x2x128xi32, #tpu.memory_space<hbm>> -> memref<2x128xi32, #tpu.memory_space<hbm>>
        %dma_start3A_91 = arith.constant 0 : i32
        %dma_start3A_92 = arith.constant 0 : i32
        %dma_start3A_93 = tpu.memref_slice %arg6[%rem3A_83, %dma_start3A_91, %dma_start3A_92] : memref<4x2x128xi32, #tpu.memory_space<vmem>> -> memref<1x2x128xi32, #tpu.memory_space<vmem>>
        %dma_start3A_94 = tpu.memref_squeeze %dma_start3A_93 : memref<1x2x128xi32, #tpu.memory_space<vmem>> -> memref<2x128xi32, #tpu.memory_space<vmem>>
        %dma_start3A_95 = arith.constant 0 : i32
        %dma_start3A_96 = arith.constant 0 : i32
        %dma_start3A_97 = tpu.memref_slice %arg3[%add3A_79, %dma_start3A_95, %dma_start3A_96] : memref<2560x2x128xi32, #tpu.memory_space<hbm>> -> memref<1x2x128xi32, #tpu.memory_space<hbm>>
        %dma_start3A_98 = tpu.memref_squeeze %dma_start3A_97 : memref<1x2x128xi32, #tpu.memory_space<hbm>> -> memref<2x128xi32, #tpu.memory_space<hbm>>
        tpu.enqueue_dma source(%dma_start3A_98 : memref<2x128xi32, #tpu.memory_space<hbm>>) target(%dma_start3A_94 : memref<2x128xi32, #tpu.memory_space<vmem>>) target_semaphore(%arg9 : memref<!tpu.dma_semaphore, #tpu.memory_space<semaphore_mem>>)
      } else {
      }
      %add3A_71 = arith.constant 2 : i32
      %add3A_72 = arith.addi %while3A_49, %add3A_71 : i32
      %lt3A_73 = arith.cmpi slt, %add3A_72, %select_n3A : i32
      %convert_element_type3A_74 = arith.extui %lt3A_73 : i1 to i32
      %cond3A_75 = arith.constant 0 : i32
      %cond3A_76 = arith.cmpi ne, %convert_element_type3A_74, %cond3A_75 : i32
      scf.if %cond3A_76 {
        %add3A_77 = arith.constant 2 : i32
        %add3A_78 = arith.addi %while3A_49, %add3A_77 : i32
        %rem3A_79 = arith.constant 4 : i32
        %rem3A_80 = arith.remsi %add3A_78, %rem3A_79 : i32
        %dma_wait3A_81 = arith.constant 0 : i32
        %dma_wait3A_82 = arith.constant 0 : i32
        %dma_wait3A_83 = tpu.memref_slice %arg6[%rem3A_80, %dma_wait3A_81, %dma_wait3A_82] : memref<4x2x128xi32, #tpu.memory_space<vmem>> -> memref<1x2x128xi32, #tpu.memory_space<vmem>>
        %dma_wait3A_84 = tpu.memref_squeeze %dma_wait3A_83 : memref<1x2x128xi32, #tpu.memory_space<vmem>> -> memref<2x128xi32, #tpu.memory_space<vmem>>
        %dma_wait3A_85 = arith.constant 0 : i32
        %dma_wait3A_86 = arith.constant 0 : i32
        %dma_wait3A_87 = tpu.memref_slice %arg3[%select_n3A_8, %dma_wait3A_85, %dma_wait3A_86] : memref<2560x2x128xi32, #tpu.memory_space<hbm>> -> memref<1x2x128xi32, #tpu.memory_space<hbm>>
        %dma_wait3A_88 = tpu.memref_squeeze %dma_wait3A_87 : memref<1x2x128xi32, #tpu.memory_space<hbm>> -> memref<2x128xi32, #tpu.memory_space<hbm>>
        %dma_wait3A_89 = arith.constant 0 : i32
        %dma_wait3A_90 = arith.constant 0 : i32
        %dma_wait3A_91 = tpu.memref_slice %arg6[%rem3A_80, %dma_wait3A_89, %dma_wait3A_90] : memref<4x2x128xi32, #tpu.memory_space<vmem>> -> memref<1x2x128xi32, #tpu.memory_space<vmem>>
        %dma_wait3A_92 = tpu.memref_squeeze %dma_wait3A_91 : memref<1x2x128xi32, #tpu.memory_space<vmem>> -> memref<2x128xi32, #tpu.memory_space<vmem>>
        %dma_wait3A_93 = arith.constant 0 : i32
        %dma_wait3A_94 = arith.constant 0 : i32
        %dma_wait3A_95 = tpu.memref_slice %arg3[%select_n3A_8, %dma_wait3A_93, %dma_wait3A_94] : memref<2560x2x128xi32, #tpu.memory_space<hbm>> -> memref<1x2x128xi32, #tpu.memory_space<hbm>>
        %dma_wait3A_96 = tpu.memref_squeeze %dma_wait3A_95 : memref<1x2x128xi32, #tpu.memory_space<hbm>> -> memref<2x128xi32, #tpu.memory_space<hbm>>
        tpu.wait_dma2 semaphore(%arg9 : memref<!tpu.dma_semaphore, #tpu.memory_space<semaphore_mem>>) src(%dma_wait3A_96 : memref<2x128xi32, #tpu.memory_space<hbm>>) dst(%dma_wait3A_92 : memref<2x128xi32, #tpu.memory_space<vmem>>)
        %dma_start3A = arith.constant 0 : i32
        %dma_start3A_97 = arith.constant 0 : i32
        %dma_start3A_98 = arith.constant 0 : i32
        %dma_start3A_99 = tpu.memref_slice %arg7[%rem3A_50, %dma_start3A_97, %dma_start3A_98] : memref<2x128x128xf32, #tpu.memory_space<vmem>> -> memref<1x128x128xf32, #tpu.memory_space<vmem>>
        %dma_start3A_100 = tpu.memref_squeeze %dma_start3A_99 : memref<1x128x128xf32, #tpu.memory_space<vmem>> -> memref<128x128xf32, #tpu.memory_space<vmem>>
        %dma_start3A_101 = arith.constant 0 : i32
        %dma_start3A_102 = tpu.memref_slice %arg6[%rem3A_80, %dma_start3A, %dma_start3A_101] : memref<4x2x128xi32, #tpu.memory_space<vmem>> -> memref<1x1x128xi32, #tpu.memory_space<vmem>>
        %dma_start3A_103 = tpu.memref_squeeze %dma_start3A_102 : memref<1x1x128xi32, #tpu.memory_space<vmem>> -> memref<128xi32, #tpu.memory_space<vmem>>
        %dma_start3A_104 = arith.constant 0 : i32
        %dma_start3A_105 = arith.constant 0 : i32
        %dma_start3A_106 = tpu.memref_slice %arg2[%dma_start3A_104, %dma_start3A_105] : memref<10000x128xf32, #tpu.memory_space<hbm>> -> memref<10000x128xf32, #tpu.memory_space<hbm>>
        tpu.enqueue_indirect_dma source(%dma_start3A_106 : memref<10000x128xf32, #tpu.memory_space<hbm>>) target(%dma_start3A_100 : memref<128x128xf32, #tpu.memory_space<vmem>>) offsets(%dma_start3A_103 : memref<128xi32, #tpu.memory_space<vmem>>) semaphore(%arg10 : memref<!tpu.dma_semaphore, #tpu.memory_space<semaphore_mem>>)
      } else {
      }
    }
    %barrier3A_44 = arith.constant 0 : index
    tpu.barrier barrier_id(%barrier3A_44)
    %mul3A_45 = arith.constant 640 : i32
    %mul3A_46 = arith.muli %arg1, %mul3A_45 : i32
    %mul3A_47 = arith.constant 640 : i32
    %mul3A_48 = arith.muli %arg1, %mul3A_47 : i32
    "tpu.region"() ({
      %run_scoped3A = tpu.sem_alloc : memref<!tpu.dma_semaphore, #tpu.memory_space<semaphore_mem>>
      %dma_start3A = arith.constant 0 : i32
      %dma_start3A_49 = tpu.memref_slice %arg5[%arg0, %mul3A_48, %dma_start3A] : memref<2x10240x128xf32, #tpu.memory_space<hbm>> -> memref<1x640x128xf32, #tpu.memory_space<hbm>>
      %dma_start3A_50 = tpu.memref_squeeze %dma_start3A_49 : memref<1x640x128xf32, #tpu.memory_space<hbm>> -> memref<640x128xf32, #tpu.memory_space<hbm>>
      %dma_start3A_51 = arith.constant 0 : i32
      %dma_start3A_52 = tpu.memref_slice %arg8[%mul3A_46, %dma_start3A_51] : memref<10240x128xf32, #tpu.memory_space<vmem_shared>> -> memref<640x128xf32, #tpu.memory_space<vmem_shared>>
      tpu.enqueue_dma source(%dma_start3A_52 : memref<640x128xf32, #tpu.memory_space<vmem_shared>>) target(%dma_start3A_50 : memref<640x128xf32, #tpu.memory_space<hbm>>) target_semaphore(%run_scoped3A : memref<!tpu.dma_semaphore, #tpu.memory_space<semaphore_mem>>)
      %dma_wait3A = arith.constant 0 : i32
      %dma_wait3A_53 = tpu.memref_slice %arg5[%arg0, %mul3A_48, %dma_wait3A] : memref<2x10240x128xf32, #tpu.memory_space<hbm>> -> memref<1x640x128xf32, #tpu.memory_space<hbm>>
      %dma_wait3A_54 = tpu.memref_squeeze %dma_wait3A_53 : memref<1x640x128xf32, #tpu.memory_space<hbm>> -> memref<640x128xf32, #tpu.memory_space<hbm>>
      %dma_wait3A_55 = arith.constant 0 : i32
      %dma_wait3A_56 = tpu.memref_slice %arg8[%mul3A_46, %dma_wait3A_55] : memref<10240x128xf32, #tpu.memory_space<vmem_shared>> -> memref<640x128xf32, #tpu.memory_space<vmem_shared>>
      tpu.wait_dma2 semaphore(%run_scoped3A : memref<!tpu.dma_semaphore, #tpu.memory_space<semaphore_mem>>) src(%dma_wait3A_56 : memref<640x128xf32, #tpu.memory_space<vmem_shared>>) dst(%dma_wait3A_54 : memref<640x128xf32, #tpu.memory_space<hbm>>)
      tpu.yield
    }) : () -> ()
    return
  }
}

module attributes {stable_mosaic.version = 14 : i64} {
  func.func @_xw1_body(%arg0: i32, %arg1: memref<1xi32, #tpu.memory_space<smem>>, %arg2: memref<1000x128xf32, #tpu.memory_space<vmem>>, %arg3: memref<144x128xf32, #tpu.memory_space<vmem>>, %arg4: memref<16x16xf32, #tpu.memory_space<vmem>>, %arg5: memref<1000x128xf32, #tpu.memory_space<vmem>>) attributes {dimension_semantics = [#tpu.dimension_semantics<arbitrary>], iteration_bounds = array<i64: 10>, scalar_prefetch = 0 : i64, scratch_operands = 0 : i64, tpu.core_type = #tpu.core_type<tc>, window_params = [{transform_indices = @transform_0, window_bounds = array<i64: 1>}, {transform_indices = @transform_1, window_bounds = array<i64: 1000, 128>}, {pipeline_mode = #tpu.pipeline_mode<synchronous>, transform_indices = @transform_2, window_bounds = array<i64: 144, 128>}, {pipeline_mode = #tpu.pipeline_mode<synchronous>, transform_indices = @transform_3, window_bounds = array<i64: 16, 16>}, {transform_indices = @transform_4, window_bounds = array<i64: 1000, 128>}]} {
    %get3A = arith.constant 0 : index
    %get3A_0 = memref.load %arg1[%get3A] : memref<1xi32, #tpu.memory_space<smem>>
    %iota3A = tpu.iota {dimensions = array<i32: 1>} : vector<1x16xi32>
    %eq3A = vector.broadcast %get3A_0 : i32 to vector<1x16xi32>
    %eq3A_1 = arith.cmpi eq, %iota3A, %eq3A : vector<1x16xi32>
    %convert_element_type3A = arith.extui %eq3A_1 : vector<1x16xi1> to vector<1x16xi32>
    %convert_element_type3A_2 = arith.sitofp %convert_element_type3A : vector<1x16xi32> to vector<1x16xf32>
    %get3A_3 = arith.constant 0 : index
    %get3A_4 = arith.constant 0 : index
    %get3A_5 = vector.load %arg4[%get3A_3, %get3A_4] : memref<16x16xf32, #tpu.memory_space<vmem>>, vector<16x16xf32>
    %dot_general3A = arith.constant dense<0.000000e+00> : vector<1x16xf32>
    %dot_general3A_6 = tpu.matmul %convert_element_type3A_2, %get3A_5, %dot_general3A {dimension_numbers = #tpu.dot_dimension_numbers<[1], [0], [0], [1], [0, 0, 1, 1], [], []>, transpose_lhs_hint = false} : vector<1x16xf32>, vector<16x16xf32>, vector<1x16xf32> -> vector<1x16xf32>
    %get3A_7 = arith.constant 128 : index
    %get3A_8 = arith.constant 0 : index
    %get3A_9 = vector.load %arg3[%get3A_7, %get3A_8] : memref<144x128xf32, #tpu.memory_space<vmem>>, vector<16x128xf32>
    %dot_general3A_10 = arith.constant dense<0.000000e+00> : vector<1x128xf32>
    %dot_general3A_11 = tpu.matmul %dot_general3A_6, %get3A_9, %dot_general3A_10 {dimension_numbers = #tpu.dot_dimension_numbers<[1], [0], [0], [1], [0, 0, 1, 1], [], []>, transpose_lhs_hint = false} : vector<1x16xf32>, vector<16x128xf32>, vector<1x128xf32> -> vector<1x128xf32>
    %get3A_12 = arith.constant 0 : index
    %get3A_13 = arith.constant 0 : index
    %get3A_14 = vector.load %arg2[%get3A_12, %get3A_13] : memref<1000x128xf32, #tpu.memory_space<vmem>>, vector<1000x128xf32>
    %get3A_15 = arith.constant 0 : index
    %get3A_16 = arith.constant 0 : index
    %get3A_17 = vector.load %arg3[%get3A_15, %get3A_16] : memref<144x128xf32, #tpu.memory_space<vmem>>, vector<128x128xf32>
    %dot_general3A_18 = arith.constant dense<0.000000e+00> : vector<1000x128xf32>
    %dot_general3A_19 = tpu.matmul %get3A_14, %get3A_17, %dot_general3A_18 {dimension_numbers = #tpu.dot_dimension_numbers<[1], [0], [0], [1], [0, 0, 1, 1], [], []>, transpose_lhs_hint = false} : vector<1000x128xf32>, vector<128x128xf32>, vector<1000x128xf32> -> vector<1000x128xf32>
    %add3A = vector.broadcast %dot_general3A_11 : vector<1x128xf32> to vector<1000x128xf32>
    %add3A_20 = arith.addf %dot_general3A_19, %add3A : vector<1000x128xf32>
    %swap3A = arith.constant 0 : index
    %swap3A_21 = arith.constant 0 : index
    %swap3A_22 = vector.load %arg5[%swap3A, %swap3A_21] : memref<1000x128xf32, #tpu.memory_space<vmem>>, vector<1000x128xf32>
    tpu.vector_store %arg5[%swap3A, %swap3A_21], %add3A_20 {strides = array<i32>} : memref<1000x128xf32, #tpu.memory_space<vmem>>, vector<1000x128xf32>,
    return
  }
  func.func @transform_0(%arg0: i32) -> i32 {
    %c0_i32 = arith.constant 0 : i32
    %c0_i32_0 = arith.constant 0 : i32
    return %c0_i32 : i32
  }
  func.func @transform_1(%arg0: i32) -> (i32, i32) {
    %c0_i32 = arith.constant 0 : i32
    %c0_i32_0 = arith.constant 0 : i32
    return %arg0, %c0_i32 : i32, i32
  }
  func.func @transform_2(%arg0: i32) -> (i32, i32) {
    %c0_i32 = arith.constant 0 : i32
    %c0_i32_0 = arith.constant 0 : i32
    %c0_i32_1 = arith.constant 0 : i32
    return %c0_i32, %c0_i32_0 : i32, i32
  }
  func.func @transform_3(%arg0: i32) -> (i32, i32) {
    %c0_i32 = arith.constant 0 : i32
    %c0_i32_0 = arith.constant 0 : i32
    %c0_i32_1 = arith.constant 0 : i32
    return %c0_i32, %c0_i32_0 : i32, i32
  }
  func.func @transform_4(%arg0: i32) -> (i32, i32) {
    %c0_i32 = arith.constant 0 : i32
    %c0_i32_0 = arith.constant 0 : i32
    return %arg0, %c0_i32 : i32, i32
  }
}

module attributes {stable_mosaic.version = 14 : i64} {
  func.func @_scale_body(%arg0: i32, %arg1: memref<2x1000x128xf32, #tpu.memory_space<vmem>>, %arg2: memref<1000x128xf32, #tpu.memory_space<vmem>>, %arg3: memref<1000x128xf32, #tpu.memory_space<vmem>>, %arg4: memref<1000x1xf32, #tpu.memory_space<vmem>>) attributes {dimension_semantics = [#tpu.dimension_semantics<arbitrary>], iteration_bounds = array<i64: 10>, scalar_prefetch = 0 : i64, scratch_operands = 0 : i64, tpu.core_type = #tpu.core_type<tc>, window_params = [{transform_indices = @transform_0, window_bounds = array<i64: 2, 1000, 128>}, {transform_indices = @transform_1, window_bounds = array<i64: 1000, 128>}, {transform_indices = @transform_2, window_bounds = array<i64: 1000, 128>}, {transform_indices = @transform_3, window_bounds = array<i64: 1000, 1>}]} {
    %get3A = arith.constant 0 : index
    %get3A_0 = arith.constant 0 : index
    %get3A_1 = arith.constant 0 : index
    %get3A_2 = vector.load %arg1[%get3A, %get3A_0, %get3A_1] : memref<2x1000x128xf32, #tpu.memory_space<vmem>>, vector<1x1000x1xf32>
    %get3A_3 = vector.shape_cast %get3A_2 : vector<1x1000x1xf32> to vector<1000x1xf32>
    %get3A_4 = arith.constant 1 : index
    %get3A_5 = arith.constant 0 : index
    %get3A_6 = arith.constant 0 : index
    %get3A_7 = vector.load %arg1[%get3A_4, %get3A_5, %get3A_6] : memref<2x1000x128xf32, #tpu.memory_space<vmem>>, vector<1x1000x1xf32>
    %get3A_8 = vector.shape_cast %get3A_7 : vector<1x1000x1xf32> to vector<1000x1xf32>
    %add3A = arith.addf %get3A_3, %get3A_8 : vector<1000x1xf32>
    %add3A_9 = arith.constant 1.000000e+00 : f32
    %add3A_10 = vector.broadcast %add3A_9 : f32 to vector<1000x1xf32>
    %add3A_11 = arith.addf %add3A, %add3A_10 : vector<1000x1xf32>
    %rsqrt3A = math.rsqrt %add3A_11 : vector<1000x1xf32>
    %get3A_12 = arith.constant 0 : index
    %get3A_13 = arith.constant 0 : index
    %get3A_14 = vector.load %arg2[%get3A_12, %get3A_13] : memref<1000x128xf32, #tpu.memory_space<vmem>>, vector<1000x128xf32>
    %mul3A = vector.broadcast %rsqrt3A : vector<1000x1xf32> to vector<1000x128xf32>
    %mul3A_15 = arith.mulf %get3A_14, %mul3A : vector<1000x128xf32>
    %swap3A = arith.constant 0 : index
    %swap3A_16 = arith.constant 0 : index
    %swap3A_17 = vector.load %arg3[%swap3A, %swap3A_16] : memref<1000x128xf32, #tpu.memory_space<vmem>>, vector<1000x128xf32>
    tpu.vector_store %arg3[%swap3A, %swap3A_16], %mul3A_15 {strides = array<i32>} : memref<1000x128xf32, #tpu.memory_space<vmem>>, vector<1000x128xf32>,
    %swap3A_18 = arith.constant 0 : index
    %swap3A_19 = arith.constant 0 : index
    %swap3A_20 = vector.load %arg4[%swap3A_18, %swap3A_19] : memref<1000x1xf32, #tpu.memory_space<vmem>>, vector<1000x1xf32>
    tpu.vector_store %arg4[%swap3A_18, %swap3A_19], %rsqrt3A {strides = array<i32>} : memref<1000x1xf32, #tpu.memory_space<vmem>>, vector<1000x1xf32>,
    return
  }
  func.func @transform_0(%arg0: i32) -> (i32, i32, i32) {
    %c0_i32 = arith.constant 0 : i32
    %c0_i32_0 = arith.constant 0 : i32
    %c0_i32_1 = arith.constant 0 : i32
    return %c0_i32, %arg0, %c0_i32_0 : i32, i32, i32
  }
  func.func @transform_1(%arg0: i32) -> (i32, i32) {
    %c0_i32 = arith.constant 0 : i32
    %c0_i32_0 = arith.constant 0 : i32
    return %arg0, %c0_i32 : i32, i32
  }
  func.func @transform_2(%arg0: i32) -> (i32, i32) {
    %c0_i32 = arith.constant 0 : i32
    %c0_i32_0 = arith.constant 0 : i32
    return %arg0, %c0_i32 : i32, i32
  }
  func.func @transform_3(%arg0: i32) -> (i32, i32) {
    %c0_i32 = arith.constant 0 : i32
    %c0_i32_0 = arith.constant 0 : i32
    return %arg0, %c0_i32 : i32, i32
  }
}

module attributes {stable_mosaic.version = 14 : i64} {
  func.func @_mid_body(%arg0: i32, %arg1: memref<2x1000x128xf32, #tpu.memory_space<vmem>>, %arg2: memref<1000x128xf32, #tpu.memory_space<vmem>>, %arg3: memref<1000x1xf32, #tpu.memory_space<vmem>>, %arg4: memref<1x128xf32, #tpu.memory_space<vmem>>, %arg5: memref<128x128xf32, #tpu.memory_space<vmem>>, %arg6: memref<1000x128xf32, #tpu.memory_space<vmem>>) attributes {dimension_semantics = [#tpu.dimension_semantics<arbitrary>], iteration_bounds = array<i64: 10>, scalar_prefetch = 0 : i64, scratch_operands = 0 : i64, tpu.core_type = #tpu.core_type<tc>, window_params = [{transform_indices = @transform_0, window_bounds = array<i64: 2, 1000, 128>}, {transform_indices = @transform_1, window_bounds = array<i64: 1000, 128>}, {transform_indices = @transform_2, window_bounds = array<i64: 1000, 1>}, {pipeline_mode = #tpu.pipeline_mode<synchronous>, transform_indices = @transform_3, window_bounds = array<i64: 1, 128>}, {pipeline_mode = #tpu.pipeline_mode<synchronous>, transform_indices = @transform_4, window_bounds = array<i64: 128, 128>}, {transform_indices = @transform_5, window_bounds = array<i64: 1000, 128>}]} {
    %get3A = arith.constant 0 : index
    %get3A_0 = arith.constant 0 : index
    %get3A_1 = arith.constant 0 : index
    %get3A_2 = vector.load %arg1[%get3A, %get3A_0, %get3A_1] : memref<2x1000x128xf32, #tpu.memory_space<vmem>>, vector<1x1000x128xf32>
    %get3A_3 = vector.shape_cast %get3A_2 : vector<1x1000x128xf32> to vector<1000x128xf32>
    %get3A_4 = arith.constant 1 : index
    %get3A_5 = arith.constant 0 : index
    %get3A_6 = arith.constant 0 : index
    %get3A_7 = vector.load %arg1[%get3A_4, %get3A_5, %get3A_6] : memref<2x1000x128xf32, #tpu.memory_space<vmem>>, vector<1x1000x128xf32>
    %get3A_8 = vector.shape_cast %get3A_7 : vector<1x1000x128xf32> to vector<1000x128xf32>
    %add3A = arith.addf %get3A_3, %get3A_8 : vector<1000x128xf32>
    %get3A_9 = arith.constant 0 : index
    %get3A_10 = arith.constant 0 : index
    %get3A_11 = vector.load %arg2[%get3A_9, %get3A_10] : memref<1000x128xf32, #tpu.memory_space<vmem>>, vector<1000x128xf32>
    %add3A_12 = arith.addf %add3A, %get3A_11 : vector<1000x128xf32>
    %get3A_13 = arith.constant 0 : index
    %get3A_14 = arith.constant 0 : index
    %get3A_15 = vector.load %arg3[%get3A_13, %get3A_14] : memref<1000x1xf32, #tpu.memory_space<vmem>>, vector<1000x1xf32>
    %mul3A = vector.broadcast %get3A_15 : vector<1000x1xf32> to vector<1000x128xf32>
    %mul3A_16 = arith.mulf %add3A_12, %mul3A : vector<1000x128xf32>
    %get3A_17 = arith.constant 0 : index
    %get3A_18 = arith.constant 0 : index
    %get3A_19 = vector.load %arg4[%get3A_17, %get3A_18] : memref<1x128xf32, #tpu.memory_space<vmem>>, vector<1x128xf32>
    %add3A_20 = vector.broadcast %get3A_19 : vector<1x128xf32> to vector<1000x128xf32>
    %add3A_21 = arith.addf %mul3A_16, %add3A_20 : vector<1000x128xf32>
    %max3A = arith.constant 0.000000e+00 : f32
    %max3A_22 = vector.broadcast %max3A : f32 to vector<1000x128xf32>
    %max3A_23 = arith.maximumf %add3A_21, %max3A_22 : vector<1000x128xf32>
    %get3A_24 = arith.constant 0 : index
    %get3A_25 = arith.constant 0 : index
    %get3A_26 = vector.load %arg5[%get3A_24, %get3A_25] : memref<128x128xf32, #tpu.memory_space<vmem>>, vector<128x128xf32>
    %dot_general3A = arith.constant dense<0.000000e+00> : vector<1000x128xf32>
    %dot_general3A_27 = tpu.matmul %max3A_23, %get3A_26, %dot_general3A {dimension_numbers = #tpu.dot_dimension_numbers<[1], [0], [0], [1], [0, 0, 1, 1], [], []>, transpose_lhs_hint = false} : vector<1000x128xf32>, vector<128x128xf32>, vector<1000x128xf32> -> vector<1000x128xf32>
    %get3A_28 = arith.constant 0 : index
    %get3A_29 = arith.constant 0 : index
    %get3A_30 = vector.load %arg3[%get3A_28, %get3A_29] : memref<1000x1xf32, #tpu.memory_space<vmem>>, vector<1000x1xf32>
    %mul3A_31 = vector.broadcast %get3A_30 : vector<1000x1xf32> to vector<1000x128xf32>
    %mul3A_32 = arith.mulf %dot_general3A_27, %mul3A_31 : vector<1000x128xf32>
    %swap3A = arith.constant 0 : index
    %swap3A_33 = arith.constant 0 : index
    %swap3A_34 = vector.load %arg6[%swap3A, %swap3A_33] : memref<1000x128xf32, #tpu.memory_space<vmem>>, vector<1000x128xf32>
    tpu.vector_store %arg6[%swap3A, %swap3A_33], %mul3A_32 {strides = array<i32>} : memref<1000x128xf32, #tpu.memory_space<vmem>>, vector<1000x128xf32>,
    return
  }
  func.func @transform_0(%arg0: i32) -> (i32, i32, i32) {
    %c0_i32 = arith.constant 0 : i32
    %c0_i32_0 = arith.constant 0 : i32
    %c0_i32_1 = arith.constant 0 : i32
    return %c0_i32, %arg0, %c0_i32_0 : i32, i32, i32
  }
  func.func @transform_1(%arg0: i32) -> (i32, i32) {
    %c0_i32 = arith.constant 0 : i32
    %c0_i32_0 = arith.constant 0 : i32
    return %arg0, %c0_i32 : i32, i32
  }
  func.func @transform_2(%arg0: i32) -> (i32, i32) {
    %c0_i32 = arith.constant 0 : i32
    %c0_i32_0 = arith.constant 0 : i32
    return %arg0, %c0_i32 : i32, i32
  }
  func.func @transform_3(%arg0: i32) -> (i32, i32) {
    %c0_i32 = arith.constant 0 : i32
    %c0_i32_0 = arith.constant 0 : i32
    %c0_i32_1 = arith.constant 0 : i32
    return %c0_i32, %c0_i32_0 : i32, i32
  }
  func.func @transform_4(%arg0: i32) -> (i32, i32) {
    %c0_i32 = arith.constant 0 : i32
    %c0_i32_0 = arith.constant 0 : i32
    %c0_i32_1 = arith.constant 0 : i32
    return %c0_i32, %c0_i32_0 : i32, i32
  }
  func.func @transform_5(%arg0: i32) -> (i32, i32) {
    %c0_i32 = arith.constant 0 : i32
    %c0_i32_0 = arith.constant 0 : i32
    return %arg0, %c0_i32 : i32, i32
  }
}

module attributes {stable_mosaic.version = 14 : i64} {
  func.func @_head_body(%arg0: i32, %arg1: memref<2x1000x128xf32, #tpu.memory_space<vmem>>, %arg2: memref<1000x128xf32, #tpu.memory_space<vmem>>, %arg3: memref<1000x1xf32, #tpu.memory_space<vmem>>, %arg4: memref<1x128xf32, #tpu.memory_space<vmem>>, %arg5: memref<128x8xf32, #tpu.memory_space<vmem>>, %arg6: memref<1x8xf32, #tpu.memory_space<vmem>>, %arg7: memref<128x1xf32, #tpu.memory_space<vmem>>, %arg8: memref<1x1xf32, #tpu.memory_space<vmem>>, %arg9: memref<1x8xf32, #tpu.memory_space<vmem>>, %arg10: memref<1000x8xf32, #tpu.memory_space<vmem>>, %arg11: memref<1000x8xf32, #tpu.memory_space<vmem>>, %arg12: memref<1000x1xf32, #tpu.memory_space<vmem>>) attributes {dimension_semantics = [#tpu.dimension_semantics<arbitrary>], iteration_bounds = array<i64: 10>, scalar_prefetch = 0 : i64, scratch_operands = 0 : i64, tpu.core_type = #tpu.core_type<tc>, window_params = [{transform_indices = @transform_0, window_bounds = array<i64: 2, 1000, 128>}, {transform_indices = @transform_1, window_bounds = array<i64: 1000, 128>}, {transform_indices = @transform_2, window_bounds = array<i64: 1000, 1>}, {pipeline_mode = #tpu.pipeline_mode<synchronous>, transform_indices = @transform_3, window_bounds = array<i64: 1, 128>}, {pipeline_mode = #tpu.pipeline_mode<synchronous>, transform_indices = @transform_4, window_bounds = array<i64: 128, 8>}, {pipeline_mode = #tpu.pipeline_mode<synchronous>, transform_indices = @transform_5, window_bounds = array<i64: 1, 8>}, {pipeline_mode = #tpu.pipeline_mode<synchronous>, transform_indices = @transform_6, window_bounds = array<i64: 128, 1>}, {pipeline_mode = #tpu.pipeline_mode<synchronous>, transform_indices = @transform_7, window_bounds = array<i64: 1, 1>}, {pipeline_mode = #tpu.pipeline_mode<synchronous>, transform_indices = @transform_8, window_bounds = array<i64: 1, 8>}, {transform_indices = @transform_9, window_bounds = array<i64: 1000, 8>}, {transform_indices = @transform_10, window_bounds = array<i64: 1000, 8>}, {transform_indices = @transform_11, window_bounds = array<i64: 1000, 1>}]} {
    %get3A = arith.constant 0 : index
    %get3A_0 = arith.constant 0 : index
    %get3A_1 = arith.constant 0 : index
    %get3A_2 = vector.load %arg1[%get3A, %get3A_0, %get3A_1] : memref<2x1000x128xf32, #tpu.memory_space<vmem>>, vector<1x1000x128xf32>
    %get3A_3 = vector.shape_cast %get3A_2 : vector<1x1000x128xf32> to vector<1000x128xf32>
    %get3A_4 = arith.constant 1 : index
    %get3A_5 = arith.constant 0 : index
    %get3A_6 = arith.constant 0 : index
    %get3A_7 = vector.load %arg1[%get3A_4, %get3A_5, %get3A_6] : memref<2x1000x128xf32, #tpu.memory_space<vmem>>, vector<1x1000x128xf32>
    %get3A_8 = vector.shape_cast %get3A_7 : vector<1x1000x128xf32> to vector<1000x128xf32>
    %add3A = arith.addf %get3A_3, %get3A_8 : vector<1000x128xf32>
    %get3A_9 = arith.constant 0 : index
    %get3A_10 = arith.constant 0 : index
    %get3A_11 = vector.load %arg2[%get3A_9, %get3A_10] : memref<1000x128xf32, #tpu.memory_space<vmem>>, vector<1000x128xf32>
    %add3A_12 = arith.addf %add3A, %get3A_11 : vector<1000x128xf32>
    %get3A_13 = arith.constant 0 : index
    %get3A_14 = arith.constant 0 : index
    %get3A_15 = vector.load %arg3[%get3A_13, %get3A_14] : memref<1000x1xf32, #tpu.memory_space<vmem>>, vector<1000x1xf32>
    %mul3A = vector.broadcast %get3A_15 : vector<1000x1xf32> to vector<1000x128xf32>
    %mul3A_16 = arith.mulf %add3A_12, %mul3A : vector<1000x128xf32>
    %get3A_17 = arith.constant 0 : index
    %get3A_18 = arith.constant 0 : index
    %get3A_19 = vector.load %arg4[%get3A_17, %get3A_18] : memref<1x128xf32, #tpu.memory_space<vmem>>, vector<1x128xf32>
    %add3A_20 = vector.broadcast %get3A_19 : vector<1x128xf32> to vector<1000x128xf32>
    %add3A_21 = arith.addf %mul3A_16, %add3A_20 : vector<1000x128xf32>
    %max3A = arith.constant 0.000000e+00 : f32
    %max3A_22 = vector.broadcast %max3A : f32 to vector<1000x128xf32>
    %max3A_23 = arith.maximumf %add3A_21, %max3A_22 : vector<1000x128xf32>
    %get3A_24 = arith.constant 0 : index
    %get3A_25 = arith.constant 0 : index
    %get3A_26 = vector.load %arg5[%get3A_24, %get3A_25] : memref<128x8xf32, #tpu.memory_space<vmem>>, vector<128x8xf32>
    %dot_general3A = arith.constant dense<0.000000e+00> : vector<1000x8xf32>
    %dot_general3A_27 = tpu.matmul %max3A_23, %get3A_26, %dot_general3A {dimension_numbers = #tpu.dot_dimension_numbers<[1], [0], [0], [1], [0, 0, 1, 1], [], []>, transpose_lhs_hint = false} : vector<1000x128xf32>, vector<128x8xf32>, vector<1000x8xf32> -> vector<1000x8xf32>
    %get3A_28 = arith.constant 0 : index
    %get3A_29 = arith.constant 0 : index
    %get3A_30 = vector.load %arg6[%get3A_28, %get3A_29] : memref<1x8xf32, #tpu.memory_space<vmem>>, vector<1x8xf32>
    %add3A_31 = vector.broadcast %get3A_30 : vector<1x8xf32> to vector<1000x8xf32>
    %add3A_32 = arith.addf %dot_general3A_27, %add3A_31 : vector<1000x8xf32>
    %tanh3A = math.tanh %add3A_32 : vector<1000x8xf32>
    %swap3A = arith.constant 0 : index
    %swap3A_33 = arith.constant 0 : index
    %swap3A_34 = vector.load %arg10[%swap3A, %swap3A_33] : memref<1000x8xf32, #tpu.memory_space<vmem>>, vector<1000x8xf32>
    tpu.vector_store %arg10[%swap3A, %swap3A_33], %tanh3A {strides = array<i32>} : memref<1000x8xf32, #tpu.memory_space<vmem>>, vector<1000x8xf32>,
    %get3A_35 = arith.constant 0 : index
    %get3A_36 = arith.constant 0 : index
    %get3A_37 = vector.load %arg9[%get3A_35, %get3A_36] : memref<1x8xf32, #tpu.memory_space<vmem>>, vector<1x8xf32>
    %exp3A = math.exp %get3A_37 : vector<1x8xf32>
    %broadcast_in_dim3A = vector.shape_cast %exp3A : vector<1x8xf32> to vector<1x8xf32>
    %broadcast_in_dim3A_38 = vector.broadcast %broadcast_in_dim3A : vector<1x8xf32> to vector<1000x8xf32>
    %swap3A_39 = arith.constant 0 : index
    %swap3A_40 = arith.constant 0 : index
    %swap3A_41 = vector.load %arg11[%swap3A_39, %swap3A_40] : memref<1000x8xf32, #tpu.memory_space<vmem>>, vector<1000x8xf32>
    tpu.vector_store %arg11[%swap3A_39, %swap3A_40], %broadcast_in_dim3A_38 {strides = array<i32>} : memref<1000x8xf32, #tpu.memory_space<vmem>>, vector<1000x8xf32>,
    %get3A_42 = arith.constant 0 : index
    %get3A_43 = arith.constant 0 : index
    %get3A_44 = vector.load %arg7[%get3A_42, %get3A_43] : memref<128x1xf32, #tpu.memory_space<vmem>>, vector<128x1xf32>
    %dot_general3A_45 = arith.constant dense<0.000000e+00> : vector<1000x1xf32>
    %dot_general3A_46 = tpu.matmul %max3A_23, %get3A_44, %dot_general3A_45 {dimension_numbers = #tpu.dot_dimension_numbers<[1], [0], [0], [1], [0, 0, 1, 1], [], []>, transpose_lhs_hint = false} : vector<1000x128xf32>, vector<128x1xf32>, vector<1000x1xf32> -> vector<1000x1xf32>
    %get3A_47 = arith.constant 0 : index
    %get3A_48 = arith.constant 0 : index
    %get3A_49 = vector.load %arg8[%get3A_47, %get3A_48] : memref<1x1xf32, #tpu.memory_space<vmem>>, vector<1x1xf32>
    %add3A_50 = vector.broadcast %get3A_49 : vector<1x1xf32> to vector<1000x1xf32>
    %add3A_51 = arith.addf %dot_general3A_46, %add3A_50 : vector<1000x1xf32>
    %swap3A_52 = arith.constant 0 : index
    %swap3A_53 = arith.constant 0 : index
    %swap3A_54 = vector.load %arg12[%swap3A_52, %swap3A_53] : memref<1000x1xf32, #tpu.memory_space<vmem>>, vector<1000x1xf32>
    tpu.vector_store %arg12[%swap3A_52, %swap3A_53], %add3A_51 {strides = array<i32>} : memref<1000x1xf32, #tpu.memory_space<vmem>>, vector<1000x1xf32>,
    return
  }
  func.func @transform_0(%arg0: i32) -> (i32, i32, i32) {
    %c0_i32 = arith.constant 0 : i32
    %c0_i32_0 = arith.constant 0 : i32
    %c0_i32_1 = arith.constant 0 : i32
    return %c0_i32, %arg0, %c0_i32_0 : i32, i32, i32
  }
  func.func @transform_1(%arg0: i32) -> (i32, i32) {
    %c0_i32 = arith.constant 0 : i32
    %c0_i32_0 = arith.constant 0 : i32
    return %arg0, %c0_i32 : i32, i32
  }
  func.func @transform_2(%arg0: i32) -> (i32, i32) {
    %c0_i32 = arith.constant 0 : i32
    %c0_i32_0 = arith.constant 0 : i32
    return %arg0, %c0_i32 : i32, i32
  }
  func.func @transform_3(%arg0: i32) -> (i32, i32) {
    %c0_i32 = arith.constant 0 : i32
    %c0_i32_0 = arith.constant 0 : i32
    %c0_i32_1 = arith.constant 0 : i32
    return %c0_i32, %c0_i32_0 : i32, i32
  }
  func.func @transform_4(%arg0: i32) -> (i32, i32) {
    %c0_i32 = arith.constant 0 : i32
    %c0_i32_0 = arith.constant 0 : i32
    %c0_i32_1 = arith.constant 0 : i32
    return %c0_i32, %c0_i32_0 : i32, i32
  }
  func.func @transform_5(%arg0: i32) -> (i32, i32) {
    %c0_i32 = arith.constant 0 : i32
    %c0_i32_0 = arith.constant 0 : i32
    %c0_i32_1 = arith.constant 0 : i32
    return %c0_i32, %c0_i32_0 : i32, i32
  }
  func.func @transform_6(%arg0: i32) -> (i32, i32) {
    %c0_i32 = arith.constant 0 : i32
    %c0_i32_0 = arith.constant 0 : i32
    %c0_i32_1 = arith.constant 0 : i32
    return %c0_i32, %c0_i32_0 : i32, i32
  }
  func.func @transform_7(%arg0: i32) -> (i32, i32) {
    %c0_i32 = arith.constant 0 : i32
    %c0_i32_0 = arith.constant 0 : i32
    %c0_i32_1 = arith.constant 0 : i32
    return %c0_i32, %c0_i32_0 : i32, i32
  }
  func.func @transform_8(%arg0: i32) -> (i32, i32) {
    %c0_i32 = arith.constant 0 : i32
    %c0_i32_0 = arith.constant 0 : i32
    %c0_i32_1 = arith.constant 0 : i32
    return %c0_i32, %c0_i32_0 : i32, i32
  }
  func.func @transform_9(%arg0: i32) -> (i32, i32) {
    %c0_i32 = arith.constant 0 : i32
    %c0_i32_0 = arith.constant 0 : i32
    return %arg0, %c0_i32 : i32, i32
  }
  func.func @transform_10(%arg0: i32) -> (i32, i32) {
    %c0_i32 = arith.constant 0 : i32
    %c0_i32_0 = arith.constant 0 : i32
    return %arg0, %c0_i32 : i32, i32
  }
  func.func @transform_11(%arg0: i32) -> (i32, i32) {
    %c0_i32 = arith.constant 0 : i32
    %c0_i32_0 = arith.constant 0 : i32
    return %arg0, %c0_i32 : i32, i32
  }
}

</mosaic_0001>

<sc_bundles>
// kernel: kernel.12.cloned.1.call-start
scs
__scs_entry_jumppad:
0x0: {  	(pc) =	sbr.rel $0x88, $3  }
0x1: {  	(tag) =	ssettag $0x0;
	lr =	simm.s32 $0x1  }
0x2: {  	[smem:$0x3F94] =	sst lr;
	_ =	strace $0xD0000000  }
0x3: {  	_ = 	snop  }
0x4: {  	_ = 	snop  }
0x5: {  	_ = 	snop  }
0x6: {  	_ = 	snop  }
0x7: {  	_ = 	snop  }
__scs_overlays_trampoline_lowered:
0x8: {  	[smem:$0x3FA3] =	sst s0  }
0x9: {  	[smem:$0x3FA4] =	sst s1  }
0xa: {  	[smem:$0x3FA5] =	sst s2  }
0xb: {  	[smem:$0x3FA6] =	sst s3  }
0xc: {  	[smem:$0x3FA7] =	sst s4  }
0xd: {  	[smem:$0x3FA8] =	sst s5  }
0xe: {  	[smem:$0x3FA9] =	sst s6  }
0xf: {  	[smem:$0x3FAA] =	sst s7  }
0x10: {  	[smem:$0x3FAB] =	sst s8  }
0x11: {  	[smem:$0x3FAC] =	sst s9;
	s0 =	simm.s32 @!p0 $0x0  }
0x12: {  	s1 =	sld [smem:$0x3F92];
	s0 =	simm.s32 @p0 $0x1  }
0x13: {  	[smem:$0x3FAD] =	sst s0;
	s0 =	simm.s32 @!p1 $0x0  }
0x14: {  	s2 =	sld [smem:$0x3F91];
	s0 =	simm.s32 @p1 $0x1  }
0x15: {  	[smem:$0x3FAE] =	sst s0;
	s0 =	simm.s32 @!p2 $0x0  }
0x16: {  	s3 =	sld [smem:$0x3FDB];
	s0 =	simm.s32 @p2 $0x1  }
0x17: {  	s4 =	simm.s32 $0x1BF5;
	[smem:$0x3FB0] =	sst s0  }
0x18: {  	s0 =	sld [smem:$0x3F93];
	_ =	swait.ge [sflag:s4], $0x0  }
0x19: {  	s7 =	sld [smem:$0x3F94]  }
0x1a: {  	s8 =	sadd.s32 $0xFFFFE003, lr  }
0x1b: {  	s9 =	sadd.s32 $0xFFFFFEF7, lr;
	s5 =	simm.s32 $0xFFFFFFFF;
	p2 =	slt.u32 s8, $0xFFFFF086  }
0x1c: {  	p1 =	slt.u32 s9, $0xF7A;
	s5 =	simm.s32 @!p2 $0x0  }
0x1d: {  	s5 =	simm.s32 @p1 $0x1;
	p0 =	seq.s32 s7, s2  }
0x1e: {  	s7 =	smul.u32 @!p0 $0xF7A, s2;
	p2 =	seq.s32 @!p0 s5, $0x0  }
0x1f: {  	s9 =	smul.u32 $0xF7A, s1;
	s8 =	simm.s32 @!p0 $0x1BF5;
	p2 =	por !p2, p0  }
0x20: {  	[sflag:s8] =	ssyncset.s32 @!p0 $0xFFFFF086;
	s6 =	sadd.s32 @!p0 s3, s7;
	s7 =	simm.s32 @!p0 $0x108  }
0x21: {  	s3 =	sadd.s32 s3, s9;
	s6 =	sadd.s32 @!p0 $0x88, s6;
	s7 =	simm.s32 @p2 $0x1082  }
0x22: {  	[simem:s7], [sflag:s8] =	dma.local @!p0 [hbm:s6], $0xF7A  }
0x23: {  	s9 =	sor.u32 $0xD0000000, s2;
	s6 =	simm.s32 $0x108;
	_ =	swait.ge @!p0 [sflag:s8], $0x0  }
0x24: {  	s3 =	sadd.s32 $0x88, s3;
	s6 =	simm.s32 @!p1 $0x1082;
	[sflag:s4] =	ssyncset.s32 $0xFFFFF086  }
0x25: {  	[simem:s6], [sflag:s4] =	dma.local [hbm:s3], $0xF7A  }
0x26: {  	[smem:$0x3F94] =	sst s1;
	(tag) =	ssettag s2;
	_ =	strace s9  }
0x27: {  	s1 =	sld [smem:$0x3FA4]  }
0x28: {  	s2 =	sld [smem:$0x3FA5]  }
0x29: {  	s4 =	sld [smem:$0x3FA7]  }
0x2a: {  	p0 =	seq.s32 s5, $0x0;
	s5 =	sld [smem:$0x3FA8]  }
0x2b: {  	s6 =	sld [smem:$0x3FA9]  }
0x2c: {  	s7 =	sld [smem:$0x3FAA]  }
0x2d: {  	s3 =	simm.s32 $0x108;
	s8 =	sld [smem:$0x3FAB]  }
0x2e: {  	s3 =	simm.s32 @!p0 $0x1082;
	s9 =	sld [smem:$0x3FAC]  }
0x2f: {  	lr =	sadd.s32 s0, s3;
	s0 =	sld [smem:$0x3FA3]  }
0x30: {  	s3 =	sld [smem:$0x3FA6]  }
0x31: {  	[smem:$0x3FAF] =	sst s10  }
0x32: {  	s10 =	sld [smem:$0x3FAD];
	_ =	sdelay $0x3  }
0x33: {  	p0 =	seq.s32 s10, $0x1;
	s10 =	sld [smem:$0x3FAF];
	_ =	sdelay $0x3  }
0x34: {  	[smem:$0x3FAF] =	sst s10  }
0x35: {  	s10 =	sld [smem:$0x3FAE];
	_ =	sdelay $0x3  }
0x36: {  	p1 =	seq.s32 s10, $0x1;
	s10 =	sld [smem:$0x3FAF];
	_ =	sdelay $0x3  }
0x37: {  	[smem:$0x3FAF] =	sst s10  }
0x38: {  	s10 =	sld [smem:$0x3FB0]  }
0x39: {  	_ = 	snop;
	(pc) =	sbr.ind lr, $3  }
0x3a: {  	_ = 	snop  }
0x3b: {  	_ = 	snop  }
0x3c: {  	p2 =	seq.s32 s10, $0x1;
	s10 =	sld [smem:$0x3FAF]  }
0x3d: {  	_ =	shalt  }
0x3e: {  	_ =	shalt  }
0x3f: {  	_ =	shalt  }
0x40: {  	_ =	shalt  }
0x41: {  	_ =	shalt  }
0x42: {  	_ =	shalt  }
0x43: {  	_ =	shalt  }
0x44: {  	_ =	shalt  }
0x45: {  	_ =	shalt  }
0x46: {  	_ =	shalt  }
0x47: {  	_ =	shalt  }
0x48: {  	_ =	shalt  }
0x49: {  	_ =	shalt  }
0x4a: {  	_ =	shalt  }
0x4b: {  	_ =	shalt  }
0x4c: {  	_ =	shalt  }
0x4d: {  	_ =	shalt  }
0x4e: {  	_ =	shalt  }
0x4f: {  	_ =	shalt  }
0x50: {  	_ =	shalt  }
0x51: {  	_ =	shalt  }
0x52: {  	_ =	shalt  }
0x53: {  	_ =	shalt  }
0x54: {  	_ =	shalt  }
0x55: {  	_ =	shalt  }
0x56: {  	_ =	shalt  }
0x57: {  	_ =	shalt  }
0x58: {  	_ =	shalt  }
0x59: {  	_ =	shalt  }
0x5a: {  	_ =	shalt  }
0x5b: {  	_ =	shalt  }
0x5c: {  	_ =	shalt  }
0x5d: {  	_ =	shalt  }
0x5e: {  	_ =	shalt  }
0x5f: {  	_ =	shalt  }
0x60: {  	_ =	shalt  }
0x61: {  	_ =	shalt  }
0x62: {  	_ =	shalt  }
0x63: {  	_ =	shalt  }
0x64: {  	_ =	shalt  }
0x65: {  	_ =	shalt  }
0x66: {  	_ =	shalt  }
0x67: {  	_ =	shalt  }
0x68: {  	_ =	shalt  }
0x69: {  	_ =	shalt  }
0x6a: {  	_ =	shalt  }
0x6b: {  	_ =	shalt  }
0x6c: {  	_ =	shalt  }
0x6d: {  	_ =	shalt  }
0x6e: {  	_ =	shalt  }
0x6f: {  	_ =	shalt  }
0x70: {  	_ =	shalt  }
0x71: {  	_ =	shalt  }
0x72: {  	_ =	shalt  }
0x73: {  	_ =	shalt  }
0x74: {  	_ =	shalt  }
0x75: {  	_ =	shalt  }
0x76: {  	_ =	shalt  }
0x77: {  	_ =	shalt  }
0x78: {  	_ =	shalt  }
0x79: {  	_ =	shalt  }
0x7a: {  	_ =	shalt  }
0x7b: {  	_ =	shalt  }
0x7c: {  	_ =	shalt  }
0x7d: {  	_ =	shalt  }
0x7e: {  	_ =	shalt  }
0x7f: {  	_ =	shalt  }
0x80: {  	_ =	shalt  }
0x81: {  	_ =	shalt  }
0x82: {  	_ =	shalt  }
0x83: {  	_ =	shalt  }
0x84: {  	_ =	shalt  }
0x85: {  	_ =	shalt  }
0x86: {  	_ =	shalt  }
0x87: {  	_ =	shalt  }
.Lfunc_end0:
.L_simem_size_0:
called_computation.1_lowered:
.L_overlay_start_0:
0x88: {  	s2 =	sld [smem:$0x3FD9]  }
0x89: {  	s3 =	sld [smem:$0x3FFE];
	_ =	sdelay $0x1  }
0x8a: {  	s1 =	srdreg.scid  }
0x8b: {  	s0 =	sand.u32 $0x1, s1  }
0x8c: {  	s16 =	sshll.u32 s0, $0xA;
	s2 =	sadd.s32 s3, s2  }
0x8d: {  	s2 =	sadd.s32 s2, s16  }
0x8e: {  	[smem:$0x3FBB] =	sst s2  }
0x8f: {  	_ = 	snop  }
0x90: {  	(tm) =	ssettm $0x1  }
0x91: {  	s17 =	sld [smem:$0x3FFB];
	_ =	sdelay $0x3  }
0x92: {  	_ =	strace s17  }
0x93: {  	s2 =	sld [smem:$0x3FFC];
	_ =	sdelay $0x3  }
0x94: {  	_ =	strace s2  }
0x95: {  	s2 =	sld [smem:$0x3FFD];
	_ =	sdelay $0x3  }
0x96: {  	_ =	strace s2  }
0x97: {  	_ =	strace $0x8FFFFFFF  }
0x98: {  	s18 =	sld [smem:$0x3FDB];
	_ =	sdelay $0x1  }
0x99: {  	s19 =	simm.s32 $_scs_section_size  }
0x9a: {  	s4 =	simm.s32 $_size__tile_overlayer_lowered;
	s5 =	simm.s32 $_tile_overlayer_lowered  }
0x9b: {  	s22 =	simm.s32 $0x1BFF;
	s21 =	sshll.u32 s5, $0x1;
	s2 =	sadd.s32 s19, s18  }
0x9c: {  	s6 =	simm.s32 $0x0;
	s20 =	sshll.u32 s4, $0x1;
	s4 =	sadd.s32 s21, s2  }
0x9d: {  	[timem:s6], [sflag:s22] =	dma.local [hbm:s4], s20  }
0x9e: {  	_ =	swait.ge [sflag:s22], s20  }
0x9f: {  	s3 =	ssub.s32 $0x0, s20;
	[sflag:s22] =	ssyncset.done $0x0  }
0xa0: {  	[sflag:s22] =	ssyncadd.s32 s3;
	_ =	sdelay $0x1  }
0xa1: {  	s23 =	simm.s32 $0x1B8B  }
0xa2: {  	_ =	swait.ge [sflag:s23], $0x1  }
0xa3: {  	[sflag:s23] =	ssyncset.done $0x0  }
0xa4: {  	s25 =	simm.s32 $0x1B8E;
	s24 =	sld [smem:$0x3FFE];
	[sflag:s23] =	ssyncadd.s32 $0xFFFFFFFF  }
0xa5: {  	s26 =	simm.s32 $execute0_lowered;
	[smem:$0x3FD2] =	sst s25  }
0xa6: {  	s4 =	sshll.u32 s26, $0x1;
	_ =	strace $0x80000049;
	[dreg:$0x1] =	wrdreg $0xFFFFFFFF  }
0xa7: {  	s28 =	simm.s32 $_size_execute0_lowered;
	s2 =	sadd.s32 s2, s4;
	[dreg:$0x0] =	wrdreg $0x0  }
0xa8: {  	s4 =	sshll.u32 s28, $0x1;
	[dreg:$0x2] =	wrdreg s2  }
0xa9: {  	[dreg:$0x3] =	wrdreg s4  }
0xaa: {  	[dreg:$0x4] =	wrdreg $0xC0  }
0xab: {  	_ =	task [dreg:s6], $0x5FFFF  }
0xac: {  	[dreg:$0x1] =	wrdreg $0xFFFFFFFF  }
0xad: {  	[dreg:$0x0] =	wrdreg $0x60  }
0xae: {  	[dreg:$0x2] =	wrdreg s24  }
0xaf: {  	[dreg:$0x3] =	wrdreg $0x84000  }
0xb0: {  	[dreg:$0x4] =	wrdreg $0x9  }
0xb1: {  	_ =	task.clear_ibuf [dreg:s6], $0x5FFFF;
	_ =	strace $0x90000049  }
0xb2: {  	s29 =	simm.s32 $0x9;
	_ =	strace $0x8000004B  }
0xb3: {  	_ =	swait.ge [sflag:s29], $0x1  }
0xb4: {  	[sflag:s29] =	ssyncadd.s32 $0xFFFFFFFF  }
0xb5: {  	_ =	strace $0x9000004B  }
0xb6: {  	_ =	sfence  }
0xb7: {  	s30 =	sld [smem:$0x0];
	_ =	sdelay $0x2  }
0xb8: {  	s31 =	sshll.u32 s1, $0xD;
	s1 =	sshrl.u32 s1, $0x2  }
0xb9: {  	s3 =	sand.u32 $0x4000, s31;
	s1 =	sadd.s32 s1, s30  }
0xba: {  	s0 =	sor.u32 s3, s0;
	s1 =	sshll.u32 s1, $0x11  }
0xbb: {  	s0 =	sor.u32 s1, s0  }
0xbc: {  	s0 =	sadd.s32 $0x8F2B, s0  }
0xbd: {  	[sflag:s0] =	ssyncadd.remote.s32 $0x1  }
0xbe: {  	_ =	sfence.sel $0xFFFF  }
0xbf: {  	[dreg:$0x0] =	wrdreg $0xFFFFFFFF;
	(pc) =	sbr.abs _section_cstart, $3  }
0xc0: {  	[dreg:$0x1] =	wrdreg $0xFFFFFFFF  }
0xc1: {  	_ =	task.clear_ibuf [dreg:s6], $0x2FFFF;
	_ =	strace $0x9FFFFFFF  }
0xc2: {  	(tm) =	ssettm $0x7FFFFFFF  }
0xc3: {  	_ =	shalt  }
tec
execute0_lowered:
.L_overlay_start_1:
0x0: {  	(tag) =	ssettag $0x1  }
0x1: {  	s1 =	rddreg [dreg:$0x0]  }
0x2: {  	s0 =	stileid.u32;
	s3 =	srdreg.scid  }
0x3: {  	s2 =	rddreg [dreg:$0x1];
	s17 =	simm.s32 $0x100;
	s18 =	simm.s32 $0x1  }
0x4: {  	s19 =	simm.s32 $0x80;
	s20 =	simm.s32 $0x400;
	s21 =	simm.s32 $0x4400  }
0x5: {  	s22 =	simm.s32 $0x2;
	s23 =	simm.s32 $0x0;
	s5 =	smul.u32 $0x14000, s0  }
0x6: {  	s15 =	sand.u32 $0x1, s3;
	s3 =	simm.s32 $0x0;
	s9 =	smul.u32 $0x9E, s0  }
0x7: {  	s4 =	sadd.s32 $0x35400, s1;
	s10 =	sadd.s32 $0x85400, s1;
	s12 =	smul.u32 $0x50000, s0  }
0x8: {  	s11 =	sshll.u32 s0, $0x1;
	s28 =	smul.u32 $0x9E00, s0;
	s30 =	sshll.u32 s0, $0x6  }
0x9: {  	s6 =	smul.u32 $0x140000, s15;
	[smem:$0x7FF] =	sst s3;
	s25 =	ssub.s32 $0x2, s15  }
0xa: {  	p0 =	seq.s32 s15, $0x0;
	_ =	strace $0x8000004A;
	s8 =	sshrl.u32 s25, $0x1  }
0xb: {  	s26 =	sshrl.u32 s12, $0x2;
	s31 =	sshrl.u32 s28, $0x3;
	s6 =	sadd.s32 s5, s6  }
0xc: {  	s5 =	sshrl.u32 s5, $0x3;
	s13 =	ssub.s32 s25, s8;
	s8 =	sor.u32 $0x9E0, s11  }
0xd: {  	s16 =	sadd.s32 s26, s2;
	s6 =	sshrl.u32 s6, $0x3;
	s7 =	sadd.s32 s5, s1  }
0xe: {  	s5 =	simm.s32 $0x9E;
	s8 =	smov.u32 @p0 s9;
	s12 =	smax.u32 s13, $0x1  }
0xf: {  	s1 =	sadd.s32 s6, s1;
	s5 =	simm.s32 @!p0 $0x2;
	s6 =	sadd.s32 $0xD400, s7  }
0x10: {  	s29 =	sshll.u32 s8, $0x5;
	s8 =	sor.u32 $0x1C03, s30;
	p0 =	sne.s32 s15, $0x0  }
0x11: {  	s15 =	sshrl.u32 s16, $0x3;
	s16 =	simm.s32 $0x3;
	s7 =	sadd.s32 s10, s29  }
0x12: {  	s10 =	sadd.s32 s10, s31;
	s11 =	sadd.s32 $0x99400, s1;
	s13 =	sshll.u32 s5, $0x10  }
0x13: {  	s9 =	sadd.s32 $0x20, s7;
	s10 =	sadd.s32 $0x40, s10;
	s14 =	sadd.s32 $0x60, s7  }
.LBB2_1:
0x14: {  	[spmem:s15], [sflag:s8] =	dma.local [hbm:s6], $0x2800  }
0x15: {  	_ =	swait.ge [sflag:s16], $0x2800  }
0x16: {  	[sflag:s16] =	ssyncset.done $0x0  }
0x17: {  	[sflag:s16] =	ssyncadd.s32 $0xFFFFD800  }
0x18: {  	[tilespmem:s3], [sflag:$0x1] =	stream.linear.gather [hbm4b:s7+s3], $0x100, $0x38;
	[tilespmem:$0x1C400] =	vst v63  }
0x19: {  	_ = 	snop  }
0x1a: {  	[tilespmem:s17], [sflag:$0x1] =	stream.linear.gather [hbm4b:s9+s3], $0x100, $0x38;
	[tilespmem:$0x1C400] =	vst v63  }
0x1b: {  	s1 =	simm.s32 @!p0 $0x0;
	s24 =	simm.s32 @!p0 $0x200  }
0x1c: {  	[tilespmem:s24], [sflag:$0x1] =	stream.linear.gather @!p0 [hbm4b:s10+s1], $0x100, $0x38;
	[tilespmem:$0x1C400] =	vst v63  }
0x1d: {  	_ =	swait.ge [sflag:s18], $0x100  }
0x1e: {  	[sflag:s18] =	ssyncset.done $0x0  }
0x1f: {  	[sflag:s18] =	ssyncadd.s32 $0xFFFFFF00  }
0x20: {  	[tilespmem:s20], [sflag:$0x2] =	stream.indirect.gather [hbm4b:s4+s19], $0x80, s3, s19, $0xb8;
	[tilespmem:$0x1C400] =	vst v63  }
0x21: {  	_ =	swait.ge [sflag:s18], $0x100  }
0x22: {  	[sflag:s18] =	ssyncset.done $0x0  }
0x23: {  	[sflag:s18] =	ssyncadd.s32 $0xFFFFFF00  }
0x24: {  	[tilespmem:s21], [sflag:$0x2] =	stream.indirect.gather [hbm4b:s4+s19], $0x80, s17, s19, $0xb8;
	[tilespmem:$0x1C400] =	vst v63  }
0x25: {  	s0 =	simm.s32 $0x0;
	s26 =	sand.u32 $0x10000, s3;
	[bflag:$0x0] =	sbarrier.arrive $0xFFFF  }
0x26: {  	p2 =	sle.u32 s5, $0x3;
	s1 =	sand.u32 $0xC00, s0;
	_ =	swait.ge [sflag:s22], $0x4000  }
0x27: {  	s26 =	sshrl.u32 s26, $0x2;
	s1 =	sshrl.u32 s1, $0x2;
	[sflag:s22] =	ssyncset.done $0x0  }
0x28: {  	s28 =	sor.u32 $0x400, s26;
	s1 =	sor.u32 $0x80, s1;
	[sflag:s22] =	ssyncadd.s32 $0xFFFFC000  }
0x29: {  	[spmem:s2] =	stream.indirect.scatter.add.f32 [tilespmem:s28], [sflag:$0x3], $0x80, s1, s19, $0xb8;
	[tilespmem:$0x1C400] =	vst v63  }
0x2a: {  	s1 =	simm.s32 @!p2 $0xC00;
	_ =	swait.ge [sflag:s16], $0x4000  }
0x2b: {  	s1 =	sand.u32 @!p2 $0xC00, s1;
	[sflag:s16] =	ssyncset.done $0x0  }
0x2c: {  	s29 =	simm.s32 @!p2 $0x0;
	s1 =	sshrl.u32 @!p2 s1, $0x2;
	[sflag:s16] =	ssyncadd.s32 $0xFFFFC000  }
0x2d: {  	[tilespmem:s1], [sflag:$0x1] =	stream.linear.gather @!p2 [hbm4b:s14+s29], $0x100, $0x38;
	[tilespmem:$0x1C400] =	vst v63  }
0x2e: {  	p2 =	sne.s32 s13, $0x10000  }
.Ltmp0:
0x2f: {  	_ = 	snop;
	(pc) =	sbr.rel @!p2 .LBB2_3-.Ltmp0, $4  }
0x30: {  	p1 =	sle.u32 s5, $0x2;
	s24 =	simm.s32 $0x800  }
0x31: {  	s25 =	simm.s32 $0x10000;
	s30 =	simm.s32 @!p1 $0x1;
	s31 =	sand.u32 @!p1 $0xC00, s24  }
0x32: {  	s26 =	simm.s32 $0x3;
	s31 =	sshrl.u32 @!p1 s31, $0x2;
	_ =	swait.ge @!p1 [sflag:s30], $0x100  }
0x33: {  	s1 =	simm.s32 @!p1 $0x80;
	s29 =	sadd.s32 $0x20, s14;
	[sflag:s30] =	ssyncset.done @!p1 $0x0  }
.LBB2_2:
0x34: {  	[sflag:s30] =	ssyncadd.s32 @!p1 $0xFFFFFF00;
	s24 =	sadd.s32 $0x400, s24  }
0x35: {  	s30 =	smov.u32 s25;
	s25 =	sadd.s32 $0x10000, s25;
	s0 =	smov.u32 s26  }
0x36: {  	[tilespmem:s28], [sflag:$0x2] =	stream.indirect.gather @!p1 [hbm4b:s4+s1], $0x80, s31, s1, $0xb8;
	[tilespmem:$0x1C400] =	vst v63  }
0x37: {  	s26 =	sadd.s32 $0x1, s26;
	s1 =	sadd.s32 $0xFFFFF800, s24;
	p2 =	sne.s32 s13, s25  }
0x38: {  	s28 =	sand.u32 $0x10000, s30;
	s1 =	sand.u32 $0xC00, s1;
	_ =	swait.ge [sflag:s22], $0x4000  }
0x39: {  	s28 =	sshrl.u32 s28, $0x2;
	s1 =	sshrl.u32 s1, $0x2;
	[sflag:s22] =	ssyncset.done $0x0  }
0x3a: {  	s28 =	sor.u32 $0x400, s28;
	s1 =	sor.u32 $0x80, s1;
	[sflag:s22] =	ssyncadd.s32 $0xFFFFC000  }
0x3b: {  	[spmem:s2] =	stream.indirect.scatter.add.f32 [tilespmem:s28], [sflag:$0x3], $0x80, s1, s19, $0xb8;
	[tilespmem:$0x1C400] =	vst v63  }
0x3c: {  	p3 =	sge.u32 s26, s5;
	p1 =	sge.u32 s0, s5;
	_ =	swait.ge [sflag:s16], $0x4000  }
0x3d: {  	s0 =	sadd.s32 @!p3 $0x400, s24;
	s1 =	simm.s32 @!p3 $0x0;
	[sflag:s16] =	ssyncset.done $0x0  }
.Ltmp1:
0x3e: {  	s0 =	sand.u32 @!p3 $0xC00, s0;
	[sflag:s16] =	ssyncadd.s32 $0xFFFFC000;
	(pc) =	sbr.rel @p2 .LBB2_2-.Ltmp1, $4  }
0x3f: {  	s30 =	simm.s32 @!p1 $0x1;
	s31 =	sand.u32 @!p1 $0xC00, s24;
	s0 =	sshrl.u32 @!p3 s0, $0x2  }
0x40: {  	[tilespmem:s0], [sflag:$0x1] =	stream.linear.gather @!p3 [hbm4b:s29+s1], $0x100, $0x38;
	[tilespmem:$0x1C400] =	vst v63  }
0x41: {  	s31 =	sshrl.u32 @!p1 s31, $0x2;
	_ =	swait.ge @!p1 [sflag:s30], $0x100  }
0x42: {  	s1 =	simm.s32 @!p1 $0x80;
	s29 =	sadd.s32 $0x20, s29;
	[sflag:s30] =	ssyncset.done @!p1 $0x0  }
.LBB2_3:
0x43: {  	[sflag:s30] =	ssyncadd.s32 @!p1 $0xFFFFFF00;
	s23 =	sadd.s32 $0x1, s23  }
0x44: {  	[tilespmem:s28], [sflag:$0x2] =	stream.indirect.gather @!p1 [hbm4b:s4+s1], $0x80, s31, s1, $0xb8;
	[tilespmem:$0x1C400] =	vst v63  }
0x45: {  	p1 =	sne.s32 s23, s12  }
.Ltmp2:
0x46: {  	[bflag:$0x0] =	sbarrier.arrive $0xFFFF;
	(pc) =	sbr.rel @p1 .LBB2_1-.Ltmp2, $4  }
0x47: {  	[hbm:s11], [sflag:s8] =	dma.local [spmem:s15], $0x2800  }
0x48: {  	_ =	swait.ge [sflag:s16], $0x2800  }
0x49: {  	[sflag:s16] =	ssyncset.done $0x0  }
0x4a: {  	[sflag:s16] =	ssyncadd.s32 $0xFFFFD800  }
0x4b: {  	_ =	sfence.sel $0x180000  }
0x4c: {  	[bflag:$0x0] =	sbarrier.arrive $0xFFFF  }
0x4d: {  	_ =	strace $0x9000004A  }
0x4e: {  	s0 =	stileid.u32;
	[bflag:$0x2] =	sbarrier.arrive $0xFFFF  }
0x4f: {  	p0 =	sne.s32 s0, $0x0;
	s0 =	rddreg [dreg:$0x2]  }
0x50: {  	s0 =	sadd.s32 @!p0 $0x100000, s0  }
0x51: {  	[sflag:s0] =	ssyncadd.tile.s32 @!p0 $0x1;
	_ =	shalt  }
.Lfunc_end2:
_tile_overlayer_lowered:
.L_overlay_start_2:
0x52: {  	(tag) =	ssettag $0x2  }
0x53: {  	s0 =	rddreg [dreg:$0x0];
	s2 =	stileid.u32  }
0x54: {  	s1 =	rddreg [dreg:$0x1];
	p0 =	sne.s32 s2, $0x0  }
0x55: {  	s3 =	rddreg [dreg:$0x2];
	[bflag:$0x3] =	sbarrier.arrive $0xFFFF;
	s2 =	simm.s32 @!p0 $0x1C03  }
0x56: {  	[timem:s3], [sflag:s2] =	dma.local @!p0 [hbm:s0], s1  }
0x57: {  	s0 =	simm.s32 @!p0 $0x3  }
0x58: {  	_ =	swait.ge @!p0 [sflag:s0], s1  }
0x59: {  	s1 =	ssub.s32 @!p0 $0x0, s1;
	[sflag:s0] =	ssyncset.done @!p0 $0x0  }
0x5a: {  	[sflag:s0] =	ssyncadd.s32 @!p0 s1  }
0x5b: {  	[bflag:$0x3] =	sbarrier.arrive $0xFFFF  }
0x5c: {  	_ =	shalt  }

// kernel: kernel.15.cloned.1.call-start
scs
__scs_entry_jumppad:
0x0: {  	(pc) =	sbr.rel $0x88, $3  }
0x1: {  	(tag) =	ssettag $0x0;
	lr =	simm.s32 $0x1  }
0x2: {  	[smem:$0x3F94] =	sst lr;
	_ =	strace $0xD0000000  }
0x3: {  	_ = 	snop  }
0x4: {  	_ = 	snop  }
0x5: {  	_ = 	snop  }
0x6: {  	_ = 	snop  }
0x7: {  	_ = 	snop  }
__scs_overlays_trampoline_lowered:
0x8: {  	[smem:$0x3FA3] =	sst s0  }
0x9: {  	[smem:$0x3FA4] =	sst s1  }
0xa: {  	[smem:$0x3FA5] =	sst s2  }
0xb: {  	[smem:$0x3FA6] =	sst s3  }
0xc: {  	[smem:$0x3FA7] =	sst s4  }
0xd: {  	[smem:$0x3FA8] =	sst s5  }
0xe: {  	[smem:$0x3FA9] =	sst s6  }
0xf: {  	[smem:$0x3FAA] =	sst s7  }
0x10: {  	[smem:$0x3FAB] =	sst s8  }
0x11: {  	[smem:$0x3FAC] =	sst s9;
	s0 =	simm.s32 @!p0 $0x0  }
0x12: {  	s1 =	sld [smem:$0x3F92];
	s0 =	simm.s32 @p0 $0x1  }
0x13: {  	[smem:$0x3FAD] =	sst s0;
	s0 =	simm.s32 @!p1 $0x0  }
0x14: {  	s2 =	sld [smem:$0x3F91];
	s0 =	simm.s32 @p1 $0x1  }
0x15: {  	[smem:$0x3FAE] =	sst s0;
	s0 =	simm.s32 @!p2 $0x0  }
0x16: {  	s3 =	sld [smem:$0x3FDB];
	s0 =	simm.s32 @p2 $0x1  }
0x17: {  	s4 =	simm.s32 $0x1BF5;
	[smem:$0x3FB0] =	sst s0  }
0x18: {  	s0 =	sld [smem:$0x3F93];
	_ =	swait.ge [sflag:s4], $0x0  }
0x19: {  	s7 =	sld [smem:$0x3F94]  }
0x1a: {  	s8 =	sadd.s32 $0xFFFFE003, lr  }
0x1b: {  	s9 =	sadd.s32 $0xFFFFFEF7, lr;
	s5 =	simm.s32 $0xFFFFFFFF;
	p2 =	slt.u32 s8, $0xFFFFF086  }
0x1c: {  	p1 =	slt.u32 s9, $0xF7A;
	s5 =	simm.s32 @!p2 $0x0  }
0x1d: {  	s5 =	simm.s32 @p1 $0x1;
	p0 =	seq.s32 s7, s2  }
0x1e: {  	s7 =	smul.u32 @!p0 $0xF7A, s2;
	p2 =	seq.s32 @!p0 s5, $0x0  }
0x1f: {  	s9 =	smul.u32 $0xF7A, s1;
	s8 =	simm.s32 @!p0 $0x1BF5;
	p2 =	por !p2, p0  }
0x20: {  	[sflag:s8] =	ssyncset.s32 @!p0 $0xFFFFF086;
	s6 =	sadd.s32 @!p0 s3, s7;
	s7 =	simm.s32 @!p0 $0x108  }
0x21: {  	s3 =	sadd.s32 s3, s9;
	s6 =	sadd.s32 @!p0 $0x88, s6;
	s7 =	simm.s32 @p2 $0x1082  }
0x22: {  	[simem:s7], [sflag:s8] =	dma.local @!p0 [hbm:s6], $0xF7A  }
0x23: {  	s9 =	sor.u32 $0xD0000000, s2;
	s6 =	simm.s32 $0x108;
	_ =	swait.ge @!p0 [sflag:s8], $0x0  }
0x24: {  	s3 =	sadd.s32 $0x88, s3;
	s6 =	simm.s32 @!p1 $0x1082;
	[sflag:s4] =	ssyncset.s32 $0xFFFFF086  }
0x25: {  	[simem:s6], [sflag:s4] =	dma.local [hbm:s3], $0xF7A  }
0x26: {  	[smem:$0x3F94] =	sst s1;
	(tag) =	ssettag s2;
	_ =	strace s9  }
0x27: {  	s1 =	sld [smem:$0x3FA4]  }
0x28: {  	s2 =	sld [smem:$0x3FA5]  }
0x29: {  	s4 =	sld [smem:$0x3FA7]  }
0x2a: {  	p0 =	seq.s32 s5, $0x0;
	s5 =	sld [smem:$0x3FA8]  }
0x2b: {  	s6 =	sld [smem:$0x3FA9]  }
0x2c: {  	s7 =	sld [smem:$0x3FAA]  }
0x2d: {  	s3 =	simm.s32 $0x108;
	s8 =	sld [smem:$0x3FAB]  }
0x2e: {  	s3 =	simm.s32 @!p0 $0x1082;
	s9 =	sld [smem:$0x3FAC]  }
0x2f: {  	lr =	sadd.s32 s0, s3;
	s0 =	sld [smem:$0x3FA3]  }
0x30: {  	s3 =	sld [smem:$0x3FA6]  }
0x31: {  	[smem:$0x3FAF] =	sst s10  }
0x32: {  	s10 =	sld [smem:$0x3FAD];
	_ =	sdelay $0x3  }
0x33: {  	p0 =	seq.s32 s10, $0x1;
	s10 =	sld [smem:$0x3FAF];
	_ =	sdelay $0x3  }
0x34: {  	[smem:$0x3FAF] =	sst s10  }
0x35: {  	s10 =	sld [smem:$0x3FAE];
	_ =	sdelay $0x3  }
0x36: {  	p1 =	seq.s32 s10, $0x1;
	s10 =	sld [smem:$0x3FAF];
	_ =	sdelay $0x3  }
0x37: {  	[smem:$0x3FAF] =	sst s10  }
0x38: {  	s10 =	sld [smem:$0x3FB0]  }
0x39: {  	_ = 	snop;
	(pc) =	sbr.ind lr, $3  }
0x3a: {  	_ = 	snop  }
0x3b: {  	_ = 	snop  }
0x3c: {  	p2 =	seq.s32 s10, $0x1;
	s10 =	sld [smem:$0x3FAF]  }
0x3d: {  	_ =	shalt  }
0x3e: {  	_ =	shalt  }
0x3f: {  	_ =	shalt  }
0x40: {  	_ =	shalt  }
0x41: {  	_ =	shalt  }
0x42: {  	_ =	shalt  }
0x43: {  	_ =	shalt  }
0x44: {  	_ =	shalt  }
0x45: {  	_ =	shalt  }
0x46: {  	_ =	shalt  }
0x47: {  	_ =	shalt  }
0x48: {  	_ =	shalt  }
0x49: {  	_ =	shalt  }
0x4a: {  	_ =	shalt  }
0x4b: {  	_ =	shalt  }
0x4c: {  	_ =	shalt  }
0x4d: {  	_ =	shalt  }
0x4e: {  	_ =	shalt  }
0x4f: {  	_ =	shalt  }
0x50: {  	_ =	shalt  }
0x51: {  	_ =	shalt  }
0x52: {  	_ =	shalt  }
0x53: {  	_ =	shalt  }
0x54: {  	_ =	shalt  }
0x55: {  	_ =	shalt  }
0x56: {  	_ =	shalt  }
0x57: {  	_ =	shalt  }
0x58: {  	_ =	shalt  }
0x59: {  	_ =	shalt  }
0x5a: {  	_ =	shalt  }
0x5b: {  	_ =	shalt  }
0x5c: {  	_ =	shalt  }
0x5d: {  	_ =	shalt  }
0x5e: {  	_ =	shalt  }
0x5f: {  	_ =	shalt  }
0x60: {  	_ =	shalt  }
0x61: {  	_ =	shalt  }
0x62: {  	_ =	shalt  }
0x63: {  	_ =	shalt  }
0x64: {  	_ =	shalt  }
0x65: {  	_ =	shalt  }
0x66: {  	_ =	shalt  }
0x67: {  	_ =	shalt  }
0x68: {  	_ =	shalt  }
0x69: {  	_ =	shalt  }
0x6a: {  	_ =	shalt  }
0x6b: {  	_ =	shalt  }
0x6c: {  	_ =	shalt  }
0x6d: {  	_ =	shalt  }
0x6e: {  	_ =	shalt  }
0x6f: {  	_ =	shalt  }
0x70: {  	_ =	shalt  }
0x71: {  	_ =	shalt  }
0x72: {  	_ =	shalt  }
0x73: {  	_ =	shalt  }
0x74: {  	_ =	shalt  }
0x75: {  	_ =	shalt  }
0x76: {  	_ =	shalt  }
0x77: {  	_ =	shalt  }
0x78: {  	_ =	shalt  }
0x79: {  	_ =	shalt  }
0x7a: {  	_ =	shalt  }
0x7b: {  	_ =	shalt  }
0x7c: {  	_ =	shalt  }
0x7d: {  	_ =	shalt  }
0x7e: {  	_ =	shalt  }
0x7f: {  	_ =	shalt  }
0x80: {  	_ =	shalt  }
0x81: {  	_ =	shalt  }
0x82: {  	_ =	shalt  }
0x83: {  	_ =	shalt  }
0x84: {  	_ =	shalt  }
0x85: {  	_ =	shalt  }
0x86: {  	_ =	shalt  }
0x87: {  	_ =	shalt  }
.Lfunc_end0:
.L_simem_size_0:
called_computation.2_lowered:
.L_overlay_start_0:
0x88: {  	s2 =	sld [smem:$0x3FD9]  }
0x89: {  	s3 =	sld [smem:$0x3FFE];
	_ =	sdelay $0x1  }
0x8a: {  	s1 =	srdreg.scid  }
0x8b: {  	s0 =	sand.u32 $0x1, s1  }
0x8c: {  	s16 =	sshll.u32 s0, $0xA;
	s2 =	sadd.s32 s3, s2  }
0x8d: {  	s2 =	sadd.s32 s2, s16  }
0x8e: {  	[smem:$0x3FBB] =	sst s2  }
0x8f: {  	_ = 	snop  }
0x90: {  	(tm) =	ssettm $0x1  }
0x91: {  	s17 =	sld [smem:$0x3FFB];
	_ =	sdelay $0x3  }
0x92: {  	_ =	strace s17  }
0x93: {  	s2 =	sld [smem:$0x3FFC];
	_ =	sdelay $0x3  }
0x94: {  	_ =	strace s2  }
0x95: {  	s2 =	sld [smem:$0x3FFD];
	_ =	sdelay $0x3  }
0x96: {  	_ =	strace s2  }
0x97: {  	_ =	strace $0x8FFFFFFF  }
0x98: {  	s18 =	sld [smem:$0x3FDB];
	_ =	sdelay $0x1  }
0x99: {  	s19 =	simm.s32 $_scs_section_size  }
0x9a: {  	s4 =	simm.s32 $_size__tile_overlayer_lowered;
	s5 =	simm.s32 $_tile_overlayer_lowered  }
0x9b: {  	s22 =	simm.s32 $0x1BFF;
	s21 =	sshll.u32 s5, $0x1;
	s2 =	sadd.s32 s19, s18  }
0x9c: {  	s6 =	simm.s32 $0x0;
	s20 =	sshll.u32 s4, $0x1;
	s4 =	sadd.s32 s21, s2  }
0x9d: {  	[timem:s6], [sflag:s22] =	dma.local [hbm:s4], s20  }
0x9e: {  	_ =	swait.ge [sflag:s22], s20  }
0x9f: {  	s3 =	ssub.s32 $0x0, s20;
	[sflag:s22] =	ssyncset.done $0x0  }
0xa0: {  	[sflag:s22] =	ssyncadd.s32 s3;
	_ =	sdelay $0x1  }
0xa1: {  	s23 =	simm.s32 $0x1B8B  }
0xa2: {  	_ =	swait.ge [sflag:s23], $0x1  }
0xa3: {  	[sflag:s23] =	ssyncset.done $0x0  }
0xa4: {  	s25 =	simm.s32 $0x1B8E;
	s24 =	sld [smem:$0x3FFE];
	[sflag:s23] =	ssyncadd.s32 $0xFFFFFFFF  }
0xa5: {  	s26 =	simm.s32 $execute0_lowered;
	[smem:$0x3FD2] =	sst s25  }
0xa6: {  	s4 =	sshll.u32 s26, $0x1;
	_ =	strace $0x8000004C;
	[dreg:$0x1] =	wrdreg $0xFFFFFFFF  }
0xa7: {  	s28 =	simm.s32 $_size_execute0_lowered;
	s2 =	sadd.s32 s2, s4;
	[dreg:$0x0] =	wrdreg $0x0  }
0xa8: {  	s4 =	sshll.u32 s28, $0x1;
	[dreg:$0x2] =	wrdreg s2  }
0xa9: {  	[dreg:$0x3] =	wrdreg s4  }
0xaa: {  	[dreg:$0x4] =	wrdreg $0xC0  }
0xab: {  	_ =	task [dreg:s6], $0x5FFFF  }
0xac: {  	[dreg:$0x1] =	wrdreg $0xFFFFFFFF  }
0xad: {  	[dreg:$0x0] =	wrdreg $0x60  }
0xae: {  	[dreg:$0x2] =	wrdreg s24  }
0xaf: {  	[dreg:$0x3] =	wrdreg $0x84000  }
0xb0: {  	[dreg:$0x4] =	wrdreg $0x9  }
0xb1: {  	_ =	task.clear_ibuf [dreg:s6], $0x5FFFF;
	_ =	strace $0x9000004C  }
0xb2: {  	s29 =	simm.s32 $0x9;
	_ =	strace $0x8000004E  }
0xb3: {  	_ =	swait.ge [sflag:s29], $0x1  }
0xb4: {  	[sflag:s29] =	ssyncadd.s32 $0xFFFFFFFF  }
0xb5: {  	_ =	strace $0x9000004E  }
0xb6: {  	_ =	sfence  }
0xb7: {  	s30 =	sld [smem:$0x0];
	_ =	sdelay $0x2  }
0xb8: {  	s31 =	sshll.u32 s1, $0xD;
	s1 =	sshrl.u32 s1, $0x2  }
0xb9: {  	s3 =	sand.u32 $0x4000, s31;
	s1 =	sadd.s32 s1, s30  }
0xba: {  	s0 =	sor.u32 s3, s0;
	s1 =	sshll.u32 s1, $0x11  }
0xbb: {  	s0 =	sor.u32 s1, s0  }
0xbc: {  	s0 =	sadd.s32 $0x8F2B, s0  }
0xbd: {  	[sflag:s0] =	ssyncadd.remote.s32 $0x1  }
0xbe: {  	_ =	sfence.sel $0xFFFF  }
0xbf: {  	[dreg:$0x0] =	wrdreg $0xFFFFFFFF;
	(pc) =	sbr.abs _section_cstart, $3  }
0xc0: {  	[dreg:$0x1] =	wrdreg $0xFFFFFFFF  }
0xc1: {  	_ =	task.clear_ibuf [dreg:s6], $0x2FFFF;
	_ =	strace $0x9FFFFFFF  }
0xc2: {  	(tm) =	ssettm $0x7FFFFFFF  }
0xc3: {  	_ =	shalt  }
tec
execute0_lowered:
.L_overlay_start_1:
0x0: {  	(tag) =	ssettag $0x1  }
0x1: {  	s1 =	rddreg [dreg:$0x0]  }
0x2: {  	s0 =	stileid.u32;
	s3 =	srdreg.scid  }
0x3: {  	s2 =	rddreg [dreg:$0x1];
	s17 =	simm.s32 $0x100;
	s18 =	simm.s32 $0x1  }
0x4: {  	s19 =	simm.s32 $0x80;
	s20 =	simm.s32 $0x400;
	s21 =	simm.s32 $0x4400  }
0x5: {  	s22 =	simm.s32 $0x2;
	s23 =	simm.s32 $0x0;
	s5 =	smul.u32 $0x14000, s0  }
0x6: {  	s15 =	sand.u32 $0x1, s3;
	s3 =	simm.s32 $0x0;
	s9 =	smul.u32 $0x9E, s0  }
0x7: {  	s4 =	sadd.s32 $0x35400, s1;
	s10 =	sadd.s32 $0x85400, s1;
	s12 =	smul.u32 $0x50000, s0  }
0x8: {  	s11 =	sshll.u32 s0, $0x1;
	s28 =	smul.u32 $0x9E00, s0;
	s30 =	sshll.u32 s0, $0x6  }
0x9: {  	s6 =	smul.u32 $0x140000, s15;
	[smem:$0x7FF] =	sst s3;
	s25 =	ssub.s32 $0x2, s15  }
0xa: {  	p0 =	seq.s32 s15, $0x0;
	_ =	strace $0x8000004D;
	s8 =	sshrl.u32 s25, $0x1  }
0xb: {  	s26 =	sshrl.u32 s12, $0x2;
	s31 =	sshrl.u32 s28, $0x3;
	s6 =	sadd.s32 s5, s6  }
0xc: {  	s5 =	sshrl.u32 s5, $0x3;
	s13 =	ssub.s32 s25, s8;
	s8 =	sor.u32 $0x9E0, s11  }
0xd: {  	s16 =	sadd.s32 s26, s2;
	s6 =	sshrl.u32 s6, $0x3;
	s7 =	sadd.s32 s5, s1  }
0xe: {  	s5 =	simm.s32 $0x9E;
	s8 =	smov.u32 @p0 s9;
	s12 =	smax.u32 s13, $0x1  }
0xf: {  	s1 =	sadd.s32 s6, s1;
	s5 =	simm.s32 @!p0 $0x2;
	s6 =	sadd.s32 $0xD400, s7  }
0x10: {  	s29 =	sshll.u32 s8, $0x5;
	s8 =	sor.u32 $0x1C03, s30;
	p0 =	sne.s32 s15, $0x0  }
0x11: {  	s15 =	sshrl.u32 s16, $0x3;
	s16 =	simm.s32 $0x3;
	s7 =	sadd.s32 s10, s29  }
0x12: {  	s10 =	sadd.s32 s10, s31;
	s11 =	sadd.s32 $0x99400, s1;
	s13 =	sshll.u32 s5, $0x10  }
0x13: {  	s9 =	sadd.s32 $0x20, s7;
	s10 =	sadd.s32 $0x40, s10;
	s14 =	sadd.s32 $0x60, s7  }
.LBB2_1:
0x14: {  	[spmem:s15], [sflag:s8] =	dma.local [hbm:s6], $0x2800  }
0x15: {  	_ =	swait.ge [sflag:s16], $0x2800  }
0x16: {  	[sflag:s16] =	ssyncset.done $0x0  }
0x17: {  	[sflag:s16] =	ssyncadd.s32 $0xFFFFD800  }
0x18: {  	[tilespmem:s3], [sflag:$0x1] =	stream.linear.gather [hbm4b:s7+s3], $0x100, $0x38;
	[tilespmem:$0x1C400] =	vst v63  }
0x19: {  	_ = 	snop  }
0x1a: {  	[tilespmem:s17], [sflag:$0x1] =	stream.linear.gather [hbm4b:s9+s3], $0x100, $0x38;
	[tilespmem:$0x1C400] =	vst v63  }
0x1b: {  	s1 =	simm.s32 @!p0 $0x0;
	s24 =	simm.s32 @!p0 $0x200  }
0x1c: {  	[tilespmem:s24], [sflag:$0x1] =	stream.linear.gather @!p0 [hbm4b:s10+s1], $0x100, $0x38;
	[tilespmem:$0x1C400] =	vst v63  }
0x1d: {  	_ =	swait.ge [sflag:s18], $0x100  }
0x1e: {  	[sflag:s18] =	ssyncset.done $0x0  }
0x1f: {  	[sflag:s18] =	ssyncadd.s32 $0xFFFFFF00  }
0x20: {  	[tilespmem:s20], [sflag:$0x2] =	stream.indirect.gather [hbm4b:s4+s19], $0x80, s3, s19, $0xb8;
	[tilespmem:$0x1C400] =	vst v63  }
0x21: {  	_ =	swait.ge [sflag:s18], $0x100  }
0x22: {  	[sflag:s18] =	ssyncset.done $0x0  }
0x23: {  	[sflag:s18] =	ssyncadd.s32 $0xFFFFFF00  }
0x24: {  	[tilespmem:s21], [sflag:$0x2] =	stream.indirect.gather [hbm4b:s4+s19], $0x80, s17, s19, $0xb8;
	[tilespmem:$0x1C400] =	vst v63  }
0x25: {  	s0 =	simm.s32 $0x0;
	s26 =	sand.u32 $0x10000, s3;
	[bflag:$0x0] =	sbarrier.arrive $0xFFFF  }
0x26: {  	p2 =	sle.u32 s5, $0x3;
	s1 =	sand.u32 $0xC00, s0;
	_ =	swait.ge [sflag:s22], $0x4000  }
0x27: {  	s26 =	sshrl.u32 s26, $0x2;
	s1 =	sshrl.u32 s1, $0x2;
	[sflag:s22] =	ssyncset.done $0x0  }
0x28: {  	s28 =	sor.u32 $0x400, s26;
	s1 =	sor.u32 $0x80, s1;
	[sflag:s22] =	ssyncadd.s32 $0xFFFFC000  }
0x29: {  	[spmem:s2] =	stream.indirect.scatter.add.f32 [tilespmem:s28], [sflag:$0x3], $0x80, s1, s19, $0xb8;
	[tilespmem:$0x1C400] =	vst v63  }
0x2a: {  	s1 =	simm.s32 @!p2 $0xC00;
	_ =	swait.ge [sflag:s16], $0x4000  }
0x2b: {  	s1 =	sand.u32 @!p2 $0xC00, s1;
	[sflag:s16] =	ssyncset.done $0x0  }
0x2c: {  	s29 =	simm.s32 @!p2 $0x0;
	s1 =	sshrl.u32 @!p2 s1, $0x2;
	[sflag:s16] =	ssyncadd.s32 $0xFFFFC000  }
0x2d: {  	[tilespmem:s1], [sflag:$0x1] =	stream.linear.gather @!p2 [hbm4b:s14+s29], $0x100, $0x38;
	[tilespmem:$0x1C400] =	vst v63  }
0x2e: {  	p2 =	sne.s32 s13, $0x10000  }
.Ltmp0:
0x2f: {  	_ = 	snop;
	(pc) =	sbr.rel @!p2 .LBB2_3-.Ltmp0, $4  }
0x30: {  	p1 =	sle.u32 s5, $0x2;
	s24 =	simm.s32 $0x800  }
0x31: {  	s25 =	simm.s32 $0x10000;
	s30 =	simm.s32 @!p1 $0x1;
	s31 =	sand.u32 @!p1 $0xC00, s24  }
0x32: {  	s26 =	simm.s32 $0x3;
	s31 =	sshrl.u32 @!p1 s31, $0x2;
	_ =	swait.ge @!p1 [sflag:s30], $0x100  }
0x33: {  	s1 =	simm.s32 @!p1 $0x80;
	s29 =	sadd.s32 $0x20, s14;
	[sflag:s30] =	ssyncset.done @!p1 $0x0  }
.LBB2_2:
0x34: {  	[sflag:s30] =	ssyncadd.s32 @!p1 $0xFFFFFF00;
	s24 =	sadd.s32 $0x400, s24  }
0x35: {  	s30 =	smov.u32 s25;
	s25 =	sadd.s32 $0x10000, s25;
	s0 =	smov.u32 s26  }
0x36: {  	[tilespmem:s28], [sflag:$0x2] =	stream.indirect.gather @!p1 [hbm4b:s4+s1], $0x80, s31, s1, $0xb8;
	[tilespmem:$0x1C400] =	vst v63  }
0x37: {  	s26 =	sadd.s32 $0x1, s26;
	s1 =	sadd.s32 $0xFFFFF800, s24;
	p2 =	sne.s32 s13, s25  }
0x38: {  	s28 =	sand.u32 $0x10000, s30;
	s1 =	sand.u32 $0xC00, s1;
	_ =	swait.ge [sflag:s22], $0x4000  }
0x39: {  	s28 =	sshrl.u32 s28, $0x2;
	s1 =	sshrl.u32 s1, $0x2;
	[sflag:s22] =	ssyncset.done $0x0  }
0x3a: {  	s28 =	sor.u32 $0x400, s28;
	s1 =	sor.u32 $0x80, s1;
	[sflag:s22] =	ssyncadd.s32 $0xFFFFC000  }
0x3b: {  	[spmem:s2] =	stream.indirect.scatter.add.f32 [tilespmem:s28], [sflag:$0x3], $0x80, s1, s19, $0xb8;
	[tilespmem:$0x1C400] =	vst v63  }
0x3c: {  	p3 =	sge.u32 s26, s5;
	p1 =	sge.u32 s0, s5;
	_ =	swait.ge [sflag:s16], $0x4000  }
0x3d: {  	s0 =	sadd.s32 @!p3 $0x400, s24;
	s1 =	simm.s32 @!p3 $0x0;
	[sflag:s16] =	ssyncset.done $0x0  }
.Ltmp1:
0x3e: {  	s0 =	sand.u32 @!p3 $0xC00, s0;
	[sflag:s16] =	ssyncadd.s32 $0xFFFFC000;
	(pc) =	sbr.rel @p2 .LBB2_2-.Ltmp1, $4  }
0x3f: {  	s30 =	simm.s32 @!p1 $0x1;
	s31 =	sand.u32 @!p1 $0xC00, s24;
	s0 =	sshrl.u32 @!p3 s0, $0x2  }
0x40: {  	[tilespmem:s0], [sflag:$0x1] =	stream.linear.gather @!p3 [hbm4b:s29+s1], $0x100, $0x38;
	[tilespmem:$0x1C400] =	vst v63  }
0x41: {  	s31 =	sshrl.u32 @!p1 s31, $0x2;
	_ =	swait.ge @!p1 [sflag:s30], $0x100  }
0x42: {  	s1 =	simm.s32 @!p1 $0x80;
	s29 =	sadd.s32 $0x20, s29;
	[sflag:s30] =	ssyncset.done @!p1 $0x0  }
.LBB2_3:
0x43: {  	[sflag:s30] =	ssyncadd.s32 @!p1 $0xFFFFFF00;
	s23 =	sadd.s32 $0x1, s23  }
0x44: {  	[tilespmem:s28], [sflag:$0x2] =	stream.indirect.gather @!p1 [hbm4b:s4+s1], $0x80, s31, s1, $0xb8;
	[tilespmem:$0x1C400] =	vst v63  }
0x45: {  	p1 =	sne.s32 s23, s12  }
.Ltmp2:
0x46: {  	[bflag:$0x0] =	sbarrier.arrive $0xFFFF;
	(pc) =	sbr.rel @p1 .LBB2_1-.Ltmp2, $4  }
0x47: {  	[hbm:s11], [sflag:s8] =	dma.local [spmem:s15], $0x2800  }
0x48: {  	_ =	swait.ge [sflag:s16], $0x2800  }
0x49: {  	[sflag:s16] =	ssyncset.done $0x0  }
0x4a: {  	[sflag:s16] =	ssyncadd.s32 $0xFFFFD800  }
0x4b: {  	_ =	sfence.sel $0x180000  }
0x4c: {  	[bflag:$0x0] =	sbarrier.arrive $0xFFFF  }
0x4d: {  	_ =	strace $0x9000004D  }
0x4e: {  	s0 =	stileid.u32;
	[bflag:$0x2] =	sbarrier.arrive $0xFFFF  }
0x4f: {  	p0 =	sne.s32 s0, $0x0;
	s0 =	rddreg [dreg:$0x2]  }
0x50: {  	s0 =	sadd.s32 @!p0 $0x100000, s0  }
0x51: {  	[sflag:s0] =	ssyncadd.tile.s32 @!p0 $0x1;
	_ =	shalt  }
.Lfunc_end2:
_tile_overlayer_lowered:
.L_overlay_start_2:
0x52: {  	(tag) =	ssettag $0x2  }
0x53: {  	s0 =	rddreg [dreg:$0x0];
	s2 =	stileid.u32  }
0x54: {  	s1 =	rddreg [dreg:$0x1];
	p0 =	sne.s32 s2, $0x0  }
0x55: {  	s3 =	rddreg [dreg:$0x2];
	[bflag:$0x3] =	sbarrier.arrive $0xFFFF;
	s2 =	simm.s32 @!p0 $0x1C03  }
0x56: {  	[timem:s3], [sflag:s2] =	dma.local @!p0 [hbm:s0], s1  }
0x57: {  	s0 =	simm.s32 @!p0 $0x3  }
0x58: {  	_ =	swait.ge @!p0 [sflag:s0], s1  }
0x59: {  	s1 =	ssub.s32 @!p0 $0x0, s1;
	[sflag:s0] =	ssyncset.done @!p0 $0x0  }
0x5a: {  	[sflag:s0] =	ssyncadd.s32 @!p0 s1  }
0x5b: {  	[bflag:$0x3] =	sbarrier.arrive $0xFFFF  }
0x5c: {  	_ =	shalt  }

// kernel: kernel.9.cloned.1.call-start
scs
__scs_entry_jumppad:
0x0: {  	(pc) =	sbr.rel $0x88, $3  }
0x1: {  	(tag) =	ssettag $0x0;
	lr =	simm.s32 $0x1  }
0x2: {  	[smem:$0x3F94] =	sst lr;
	_ =	strace $0xD0000000  }
0x3: {  	_ = 	snop  }
0x4: {  	_ = 	snop  }
0x5: {  	_ = 	snop  }
0x6: {  	_ = 	snop  }
0x7: {  	_ = 	snop  }
__scs_overlays_trampoline_lowered:
0x8: {  	[smem:$0x3FA3] =	sst s0  }
0x9: {  	[smem:$0x3FA4] =	sst s1  }
0xa: {  	[smem:$0x3FA5] =	sst s2  }
0xb: {  	[smem:$0x3FA6] =	sst s3  }
0xc: {  	[smem:$0x3FA7] =	sst s4  }
0xd: {  	[smem:$0x3FA8] =	sst s5  }
0xe: {  	[smem:$0x3FA9] =	sst s6  }
0xf: {  	[smem:$0x3FAA] =	sst s7  }
0x10: {  	[smem:$0x3FAB] =	sst s8  }
0x11: {  	[smem:$0x3FAC] =	sst s9;
	s0 =	simm.s32 @!p0 $0x0  }
0x12: {  	s1 =	sld [smem:$0x3F92];
	s0 =	simm.s32 @p0 $0x1  }
0x13: {  	[smem:$0x3FAD] =	sst s0;
	s0 =	simm.s32 @!p1 $0x0  }
0x14: {  	s2 =	sld [smem:$0x3F91];
	s0 =	simm.s32 @p1 $0x1  }
0x15: {  	[smem:$0x3FAE] =	sst s0;
	s0 =	simm.s32 @!p2 $0x0  }
0x16: {  	s3 =	sld [smem:$0x3FDB];
	s0 =	simm.s32 @p2 $0x1  }
0x17: {  	s4 =	simm.s32 $0x1BF5;
	[smem:$0x3FB0] =	sst s0  }
0x18: {  	s0 =	sld [smem:$0x3F93];
	_ =	swait.ge [sflag:s4], $0x0  }
0x19: {  	s7 =	sld [smem:$0x3F94]  }
0x1a: {  	s8 =	sadd.s32 $0xFFFFE003, lr  }
0x1b: {  	s9 =	sadd.s32 $0xFFFFFEF7, lr;
	s5 =	simm.s32 $0xFFFFFFFF;
	p2 =	slt.u32 s8, $0xFFFFF086  }
0x1c: {  	p1 =	slt.u32 s9, $0xF7A;
	s5 =	simm.s32 @!p2 $0x0  }
0x1d: {  	s5 =	simm.s32 @p1 $0x1;
	p0 =	seq.s32 s7, s2  }
0x1e: {  	s7 =	smul.u32 @!p0 $0xF7A, s2;
	p2 =	seq.s32 @!p0 s5, $0x0  }
0x1f: {  	s9 =	smul.u32 $0xF7A, s1;
	s8 =	simm.s32 @!p0 $0x1BF5;
	p2 =	por !p2, p0  }
0x20: {  	[sflag:s8] =	ssyncset.s32 @!p0 $0xFFFFF086;
	s6 =	sadd.s32 @!p0 s3, s7;
	s7 =	simm.s32 @!p0 $0x108  }
0x21: {  	s3 =	sadd.s32 s3, s9;
	s6 =	sadd.s32 @!p0 $0x88, s6;
	s7 =	simm.s32 @p2 $0x1082  }
0x22: {  	[simem:s7], [sflag:s8] =	dma.local @!p0 [hbm:s6], $0xF7A  }
0x23: {  	s9 =	sor.u32 $0xD0000000, s2;
	s6 =	simm.s32 $0x108;
	_ =	swait.ge @!p0 [sflag:s8], $0x0  }
0x24: {  	s3 =	sadd.s32 $0x88, s3;
	s6 =	simm.s32 @!p1 $0x1082;
	[sflag:s4] =	ssyncset.s32 $0xFFFFF086  }
0x25: {  	[simem:s6], [sflag:s4] =	dma.local [hbm:s3], $0xF7A  }
0x26: {  	[smem:$0x3F94] =	sst s1;
	(tag) =	ssettag s2;
	_ =	strace s9  }
0x27: {  	s1 =	sld [smem:$0x3FA4]  }
0x28: {  	s2 =	sld [smem:$0x3FA5]  }
0x29: {  	s4 =	sld [smem:$0x3FA7]  }
0x2a: {  	p0 =	seq.s32 s5, $0x0;
	s5 =	sld [smem:$0x3FA8]  }
0x2b: {  	s6 =	sld [smem:$0x3FA9]  }
0x2c: {  	s7 =	sld [smem:$0x3FAA]  }
0x2d: {  	s3 =	simm.s32 $0x108;
	s8 =	sld [smem:$0x3FAB]  }
0x2e: {  	s3 =	simm.s32 @!p0 $0x1082;
	s9 =	sld [smem:$0x3FAC]  }
0x2f: {  	lr =	sadd.s32 s0, s3;
	s0 =	sld [smem:$0x3FA3]  }
0x30: {  	s3 =	sld [smem:$0x3FA6]  }
0x31: {  	[smem:$0x3FAF] =	sst s10  }
0x32: {  	s10 =	sld [smem:$0x3FAD];
	_ =	sdelay $0x3  }
0x33: {  	p0 =	seq.s32 s10, $0x1;
	s10 =	sld [smem:$0x3FAF];
	_ =	sdelay $0x3  }
0x34: {  	[smem:$0x3FAF] =	sst s10  }
0x35: {  	s10 =	sld [smem:$0x3FAE];
	_ =	sdelay $0x3  }
0x36: {  	p1 =	seq.s32 s10, $0x1;
	s10 =	sld [smem:$0x3FAF];
	_ =	sdelay $0x3  }
0x37: {  	[smem:$0x3FAF] =	sst s10  }
0x38: {  	s10 =	sld [smem:$0x3FB0]  }
0x39: {  	_ = 	snop;
	(pc) =	sbr.ind lr, $3  }
0x3a: {  	_ = 	snop  }
0x3b: {  	_ = 	snop  }
0x3c: {  	p2 =	seq.s32 s10, $0x1;
	s10 =	sld [smem:$0x3FAF]  }
0x3d: {  	_ =	shalt  }
0x3e: {  	_ =	shalt  }
0x3f: {  	_ =	shalt  }
0x40: {  	_ =	shalt  }
0x41: {  	_ =	shalt  }
0x42: {  	_ =	shalt  }
0x43: {  	_ =	shalt  }
0x44: {  	_ =	shalt  }
0x45: {  	_ =	shalt  }
0x46: {  	_ =	shalt  }
0x47: {  	_ =	shalt  }
0x48: {  	_ =	shalt  }
0x49: {  	_ =	shalt  }
0x4a: {  	_ =	shalt  }
0x4b: {  	_ =	shalt  }
0x4c: {  	_ =	shalt  }
0x4d: {  	_ =	shalt  }
0x4e: {  	_ =	shalt  }
0x4f: {  	_ =	shalt  }
0x50: {  	_ =	shalt  }
0x51: {  	_ =	shalt  }
0x52: {  	_ =	shalt  }
0x53: {  	_ =	shalt  }
0x54: {  	_ =	shalt  }
0x55: {  	_ =	shalt  }
0x56: {  	_ =	shalt  }
0x57: {  	_ =	shalt  }
0x58: {  	_ =	shalt  }
0x59: {  	_ =	shalt  }
0x5a: {  	_ =	shalt  }
0x5b: {  	_ =	shalt  }
0x5c: {  	_ =	shalt  }
0x5d: {  	_ =	shalt  }
0x5e: {  	_ =	shalt  }
0x5f: {  	_ =	shalt  }
0x60: {  	_ =	shalt  }
0x61: {  	_ =	shalt  }
0x62: {  	_ =	shalt  }
0x63: {  	_ =	shalt  }
0x64: {  	_ =	shalt  }
0x65: {  	_ =	shalt  }
0x66: {  	_ =	shalt  }
0x67: {  	_ =	shalt  }
0x68: {  	_ =	shalt  }
0x69: {  	_ =	shalt  }
0x6a: {  	_ =	shalt  }
0x6b: {  	_ =	shalt  }
0x6c: {  	_ =	shalt  }
0x6d: {  	_ =	shalt  }
0x6e: {  	_ =	shalt  }
0x6f: {  	_ =	shalt  }
0x70: {  	_ =	shalt  }
0x71: {  	_ =	shalt  }
0x72: {  	_ =	shalt  }
0x73: {  	_ =	shalt  }
0x74: {  	_ =	shalt  }
0x75: {  	_ =	shalt  }
0x76: {  	_ =	shalt  }
0x77: {  	_ =	shalt  }
0x78: {  	_ =	shalt  }
0x79: {  	_ =	shalt  }
0x7a: {  	_ =	shalt  }
0x7b: {  	_ =	shalt  }
0x7c: {  	_ =	shalt  }
0x7d: {  	_ =	shalt  }
0x7e: {  	_ =	shalt  }
0x7f: {  	_ =	shalt  }
0x80: {  	_ =	shalt  }
0x81: {  	_ =	shalt  }
0x82: {  	_ =	shalt  }
0x83: {  	_ =	shalt  }
0x84: {  	_ =	shalt  }
0x85: {  	_ =	shalt  }
0x86: {  	_ =	shalt  }
0x87: {  	_ =	shalt  }
.Lfunc_end0:
.L_simem_size_0:
called_computation_lowered:
.L_overlay_start_0:
0x88: {  	s2 =	sld [smem:$0x3FD9]  }
0x89: {  	s3 =	sld [smem:$0x3FFE];
	_ =	sdelay $0x1  }
0x8a: {  	s1 =	srdreg.scid  }
0x8b: {  	s0 =	sand.u32 $0x1, s1  }
0x8c: {  	s14 =	sshll.u32 s0, $0xA;
	s2 =	sadd.s32 s3, s2  }
0x8d: {  	s2 =	sadd.s32 s2, s14  }
0x8e: {  	[smem:$0x3FBB] =	sst s2  }
0x8f: {  	_ = 	snop  }
0x90: {  	s2 =	sld [smem:$0x3FD0];
	_ =	sdelay $0x2  }
0x91: {  	s15 =	simm.s32 $0xA;
	s4 =	simm.s32 $0x10  }
0x92: {  	[smem:s4], [sflag:s15] =	dma.local [hbm:s2], $0x1  }
0x93: {  	_ =	swait.eq [sflag:s15], $0x1  }
0x94: {  	[sflag:s15] =	ssyncset.done $0x0  }
0x95: {  	[sflag:s15] =	ssyncadd.s32 $0xFFFFFFFF  }
0x96: {  	s16 =	sld [smem:$0x11];
	(tm) =	ssettm $0x1  }
0x97: {  	s17 =	sld [smem:$0x3FFB];
	_ =	sdelay $0x3  }
0x98: {  	_ =	strace s17  }
0x99: {  	s3 =	sld [smem:$0x3FFC];
	_ =	sdelay $0x3  }
0x9a: {  	_ =	strace s3  }
0x9b: {  	s3 =	sld [smem:$0x3FFD];
	_ =	sdelay $0x3  }
0x9c: {  	_ =	strace s3  }
0x9d: {  	_ =	strace $0x8FFFFFFF  }
0x9e: {  	s18 =	sld [smem:$0x3FDB];
	_ =	sdelay $0x1  }
0x9f: {  	s19 =	simm.s32 $_scs_section_size  }
0xa0: {  	s5 =	simm.s32 $_size__tile_overlayer_lowered;
	s6 =	simm.s32 $_tile_overlayer_lowered  }
0xa1: {  	s22 =	simm.s32 $0x1BFF;
	s21 =	sshll.u32 s6, $0x1;
	s3 =	sadd.s32 s19, s18  }
0xa2: {  	s7 =	simm.s32 $0x0;
	s20 =	sshll.u32 s5, $0x1;
	s5 =	sadd.s32 s21, s3  }
0xa3: {  	[timem:s7], [sflag:s22] =	dma.local [hbm:s5], s20  }
0xa4: {  	_ =	swait.ge [sflag:s22], s20  }
0xa5: {  	s4 =	ssub.s32 $0x0, s20;
	[sflag:s22] =	ssyncset.done $0x0  }
0xa6: {  	[sflag:s22] =	ssyncadd.s32 s4;
	_ =	sdelay $0x1  }
0xa7: {  	s23 =	simm.s32 $0x1B8B  }
0xa8: {  	_ =	swait.ge [sflag:s23], $0x1  }
0xa9: {  	[sflag:s23] =	ssyncset.done $0x0  }
0xaa: {  	s25 =	simm.s32 $0x1B8E;
	s24 =	sld [smem:$0x3FFE];
	[sflag:s23] =	ssyncadd.s32 $0xFFFFFFFF  }
0xab: {  	s26 =	simm.s32 $execute0_lowered;
	[smem:$0x3FD2] =	sst s25  }
0xac: {  	s5 =	sshll.u32 s26, $0x1;
	_ =	strace $0x80000046;
	[dreg:$0x1] =	wrdreg $0xFFFFFFFF  }
0xad: {  	s28 =	simm.s32 $_size_execute0_lowered;
	s3 =	sadd.s32 s3, s5;
	[dreg:$0x0] =	wrdreg $0x0  }
0xae: {  	s5 =	sshll.u32 s28, $0x1;
	[dreg:$0x2] =	wrdreg s3  }
0xaf: {  	[dreg:$0x3] =	wrdreg s5  }
0xb0: {  	[dreg:$0x4] =	wrdreg $0xC0  }
0xb1: {  	_ =	task [dreg:s7], $0x5FFFF  }
0xb2: {  	[dreg:$0x1] =	wrdreg $0xFFFFFFFF  }
0xb3: {  	[dreg:$0x0] =	wrdreg $0x60  }
0xb4: {  	[dreg:$0x2] =	wrdreg s24  }
0xb5: {  	[dreg:$0x3] =	wrdreg s16  }
0xb6: {  	[dreg:$0x4] =	wrdreg $0x68000  }
0xb7: {  	[dreg:$0x5] =	wrdreg $0x9  }
0xb8: {  	_ =	task.clear_ibuf [dreg:s7], $0x6FFFF;
	_ =	strace $0x90000046  }
0xb9: {  	s29 =	simm.s32 $0x9;
	_ =	strace $0x80000048  }
0xba: {  	_ =	swait.ge [sflag:s29], $0x1  }
0xbb: {  	[sflag:s29] =	ssyncadd.s32 $0xFFFFFFFF  }
0xbc: {  	_ =	strace $0x90000048  }
0xbd: {  	_ =	sfence  }
0xbe: {  	s30 =	sld [smem:$0x0];
	_ =	sdelay $0x2  }
0xbf: {  	s31 =	sshll.u32 s1, $0xD;
	s1 =	sshrl.u32 s1, $0x2  }
0xc0: {  	s3 =	sand.u32 $0x4000, s31;
	s1 =	sadd.s32 s1, s30  }
0xc1: {  	s0 =	sor.u32 s3, s0;
	s1 =	sshll.u32 s1, $0x11  }
0xc2: {  	s0 =	sor.u32 s1, s0  }
0xc3: {  	s0 =	sadd.s32 $0x8F2B, s0  }
0xc4: {  	[sflag:s0] =	ssyncadd.remote.s32 $0x1  }
0xc5: {  	_ =	sfence.sel $0xFFFF  }
0xc6: {  	[dreg:$0x0] =	wrdreg $0xFFFFFFFF;
	(pc) =	sbr.abs _section_cstart, $3  }
0xc7: {  	[dreg:$0x1] =	wrdreg $0xFFFFFFFF  }
0xc8: {  	_ =	task.clear_ibuf [dreg:s7], $0x2FFFF;
	_ =	strace $0x9FFFFFFF  }
0xc9: {  	(tm) =	ssettm $0x7FFFFFFF  }
tec
execute0_lowered:
.L_overlay_start_1:
0x0: {  	(tag) =	ssettag $0x1  }
0x1: {  	s6 =	rddreg [dreg:$0x0]  }
0x2: {  	s2 =	rddreg [dreg:$0x1]  }
0x3: {  	s0 =	srdreg.scid;
	s3 =	rddreg [dreg:$0x2];
	s4 =	simm.s32 $0x0  }
0x4: {  	s13 =	simm.s32 $0x80;
	s5 =	sand.u32 $0x1, s0;
	s0 =	stileid.u32  }
0x5: {  	s14 =	simm.s32 $0x0;
	[smem:$0x7FF] =	sst s4;
	s8 =	smul.u32 $0x14000, s0  }
0x6: {  	s1 =	sshll.u32 s5, $0x4;
	s9 =	smul.u32 $0x140000, s5;
	s5 =	ssub.s32 $0x2, s5  }
0x7: {  	s29 =	smul.u32 $0x50000, s0;
	s31 =	sshll.u32 s0, $0x6;
	s1 =	sor.u32 s0, s1  }
0x8: {  	s11 =	sshrl.u32 s5, $0x1;
	s7 =	smul.u32 $0x500, s1;
	s1 =	rddreg [dreg:$0x3]  }
0x9: {  	_ =	strace $0x80000047;
	s10 =	sshrl.u32 s8, $0x3;
	s8 =	sadd.s32 s8, s9  }
0xa: {  	s11 =	ssub.s32 s5, s11;
	s30 =	sshrl.u32 s29, $0x2;
	s10 =	sadd.s32 s10, s6  }
0xb: {  	s8 =	sshrl.u32 s8, $0x3;
	s12 =	sadd.s32 s30, s3;
	s9 =	smax.u32 s11, $0x1  }
0xc: {  	s11 =	simm.s32 $0x1;
	s7 =	sadd.s32 s7, s6;
	s8 =	sadd.s32 s8, s6  }
0xd: {  	s5 =	sadd.s32 $0xD400, s10;
	s6 =	sor.u32 $0x1C01, s31;
	s10 =	sshrl.u32 s12, $0x3  }
0xe: {  	s12 =	simm.s32 $0x2800;
	s7 =	sadd.s32 $0x3400, s7;
	s8 =	sadd.s32 $0x35400, s8  }
.LBB2_1:
0xf: {  	[spmem:s10], [sflag:s6] =	dma.local [hbm:s5], $0x2800  }
0x10: {  	_ =	swait.ge [sflag:s11], $0x2800  }
0x11: {  	[sflag:s11] =	ssyncset.done $0x0  }
0x12: {  	[sflag:s11] =	ssyncadd.s32 $0xFFFFD800  }
0x13: {  	[tilespmem:s4], [sflag:$0x1] =	stream.linear.gather [hbm4b:s7+s4], $0x2800, $0x38;
	[tilespmem:$0x1A800] =	vst v63  }
0x14: {  	_ =	swait.ge [sflag:s11], $0x2800  }
0x15: {  	[sflag:s11] =	ssyncset.done $0x0  }
0x16: {  	[sflag:s11] =	ssyncadd.s32 $0xFFFFD800  }
0x17: {  	[tilespmem:s12], [sflag:$0x1] =	stream.linear.gather [hbm4b:s2+s4], $0x4000, $0x38;
	[tilespmem:$0x1A800] =	vst v63  }
0x18: {  	_ =	swait.ge [sflag:s11], $0x4000  }
0x19: {  	[sflag:s11] =	ssyncset.done $0x0  }
0x1a: {  	[sflag:s11] =	ssyncadd.s32 $0xFFFFC000  }
0x1b: {  	s15 =	simm.s32 $0x0;
	[bflag:$0x0] =	sbarrier.arrive $0xFFFF  }
0x1c: {  	[spmem:s3] =	stream.indirect.scatter.add.f32 [tilespmem:s12], [sflag:$0x1], $0x80, s15, s13, $0xb8;
	[tilespmem:$0x1A800] =	vst v63  }
0x1d: {  	_ =	swait.ge [sflag:s11], $0x4000  }
0x1e: {  	s15 =	simm.s32 $0x200;
	[sflag:s11] =	ssyncset.done $0x0  }
.LBB2_2:
0x1f: {  	s16 =	sshra.s32 s15, $0x2;
	[sflag:s11] =	ssyncadd.s32 $0xFFFFC000;
	p0 =	sne.s32 s15, $0x9E00  }
0x20: {  	[spmem:s3] =	stream.indirect.scatter.add.f32 [tilespmem:s12], [sflag:$0x1], $0x80, s16, s13, $0xb8;
	[tilespmem:$0x1A800] =	vst v63  }
.Ltmp0:
0x21: {  	_ = 	snop;
	(pc) =	sbr.rel @p0 .LBB2_2-.Ltmp0, $4  }
0x22: {  	_ = 	snop  }
0x23: {  	s15 =	sadd.s32 $0x200, s15  }
0x24: {  	_ =	swait.ge [sflag:s11], $0x4000  }
0x25: {  	[sflag:s11] =	ssyncset.done $0x0  }
0x26: {  	s14 =	sadd.s32 $0x1, s14  }
0x27: {  	[sflag:s11] =	ssyncadd.s32 $0xFFFFC000;
	p0 =	sne.s32 s14, s9  }
.Ltmp1:
0x28: {  	[bflag:$0x0] =	sbarrier.arrive $0xFFFF;
	(pc) =	sbr.rel @p0 .LBB2_1-.Ltmp1, $4  }
0x29: {  	[hbm:s8], [sflag:s6] =	dma.local [spmem:s10], $0x2800  }
0x2a: {  	_ =	swait.ge [sflag:s11], $0x2800  }
0x2b: {  	[sflag:s11] =	ssyncset.done $0x0  }
0x2c: {  	[sflag:s11] =	ssyncadd.s32 $0xFFFFD800  }
0x2d: {  	_ =	sfence.sel $0x180000  }
0x2e: {  	[bflag:$0x0] =	sbarrier.arrive $0xFFFF  }
0x2f: {  	p0 =	sne.s32 s0, $0x0;
	_ =	strace $0x90000047  }
0x30: {  	s0 =	sadd.s32 @!p0 $0x100000, s1;
	[bflag:$0x2] =	sbarrier.arrive $0xFFFF  }
0x31: {  	[sflag:s0] =	ssyncadd.tile.s32 @!p0 $0x1;
	_ =	shalt  }
.Lfunc_end2:
_tile_overlayer_lowered:
.L_overlay_start_2:
0x32: {  	(tag) =	ssettag $0x2  }
0x33: {  	s0 =	rddreg [dreg:$0x0];
	s2 =	stileid.u32  }
0x34: {  	s1 =	rddreg [dreg:$0x1];
	p0 =	sne.s32 s2, $0x0  }
0x35: {  	s3 =	rddreg [dreg:$0x2];
	[bflag:$0x3] =	sbarrier.arrive $0xFFFF;
	s2 =	simm.s32 @!p0 $0x1C01  }
0x36: {  	[timem:s3], [sflag:s2] =	dma.local @!p0 [hbm:s0], s1  }
0x37: {  	s0 =	simm.s32 @!p0 $0x1  }
0x38: {  	_ =	swait.ge @!p0 [sflag:s0], s1  }
0x39: {  	s1 =	ssub.s32 @!p0 $0x0, s1;
	[sflag:s0] =	ssyncset.done @!p0 $0x0  }
0x3a: {  	[sflag:s0] =	ssyncadd.s32 @!p0 s1  }
0x3b: {  	[bflag:$0x3] =	sbarrier.arrive $0xFFFF  }
0x3c: {  	_ =	shalt  }

</sc_bundles>
